<compile_context>
chip_gen: v7x
topology: tpu7x:2x2x1
jax: 0.10.2.dev20260603
libtpu: 0.0.44.dev20260713+nightly
codegen_flags: <defaults>
</compile_context>

<pallas_src>
import functools

import jax
import jax.numpy as jnp
from jax import lax
from jax.experimental import pallas as pl
from jax.experimental.pallas import tpu as pltpu
from jax.experimental.pallas import tpu_sc as plsc

_LATENTS = (32, 64, 96, 128, 192, 256)
_NE = 6
_BATCH = 16384
_IN_RAW = 73
_IN = 128
_DMAX = 256
_BB = 2048
_NBLK = _BATCH // _BB + (_NE - 1)
_P = _NBLK * _BB

_NC, _NS = 2, 16
_NW = _NC * _NS
_RPW = _BATCH // _NW
_RCHUNK = 128
_NCHUNK = _RPW // _RCHUNK

_TSTRIP = 1024
_NSTRIP = _BATCH // _TSTRIP


def _routing_body(roh_ref, xt_ref, pos_ref, be_ref, x_ref):
    for m in range(_TSTRIP // 128):
        x_ref[pl.ds(128 * m, 128), :] = (
            xt_ref[:, pl.ds(128 * m, 128)].T.astype(jnp.float32))

    @pl.when(pl.program_id(0) == 0)
    def _():
        r = [roh_ref[:, e, :] for e in range(_NE)]
        m = r[0]
        for e in range(1, _NE):
            m = jnp.maximum(m, r[e])
        rate = jnp.full((128, 128), _NE, jnp.int32)
        for e in range(_NE - 1, -1, -1):
            rate = jnp.where(r[e] == m, e, rate)

        row_i = lax.broadcasted_iota(jnp.int32, (128, 128), 0)
        col_i = lax.broadcasted_iota(jnp.int32, (128, 128), 1)
        tri_incl = (row_i <= col_i).astype(jnp.float32)
        tri_strict = (col_i < row_i).astype(jnp.float32)

        ohs, ranks, cnts = [], [], []
        for e in range(_NE):
            oh = (rate == e).astype(jnp.float32)
            incl = jnp.dot(oh, tri_incl, preferred_element_type=jnp.float32)
            rowtot = jnp.sum(oh, axis=1, keepdims=True)
            prev = jnp.dot(tri_strict, rowtot, preferred_element_type=jnp.float32)
            ranks.append(incl - oh + prev)
            ohs.append(oh)
            cnts.append(jnp.sum(oh))

        starts = []
        sb = 0
        for e in range(_NE):
            starts.append(sb)
            nb = (cnts[e].astype(jnp.int32) + _BB - 1) // _BB
            sb = sb + nb

        pos = jnp.zeros((128, 128), jnp.float32)
        for e in range(_NE):
            off = (starts[e] * _BB).astype(jnp.float32) if e else jnp.float32(0)
            pos = pos + ohs[e] * (ranks[e] + off)
        pos_ref[...] = pos.astype(jnp.int32)

        bi = lax.broadcasted_iota(jnp.int32, (8, 128), 1)
        be = jnp.full((8, 128), -1, jnp.int32)
        for e in range(_NE):
            se = starts[e] if e else jnp.int32(0)
            be = be + jnp.where(bi >= se, 1, 0)
        be_ref[...] = be


def _route(roh3, xt):
    return pl.pallas_call(
        _routing_body,
        grid=(_NSTRIP,),
        in_specs=[
            pl.BlockSpec((128, _NE, 128), lambda i: (0, 0, 0)),
            pl.BlockSpec((_IN, _TSTRIP), lambda i: (0, i)),
        ],
        out_specs=(
            pl.BlockSpec((128, 128), lambda i: (0, 0)),
            pl.BlockSpec((8, 128), lambda i: (0, 0)),
            pl.BlockSpec((_TSTRIP, _IN), lambda i: (i, 0)),
        ),
        out_shape=(
            jax.ShapeDtypeStruct((128, 128), jnp.int32),
            jax.ShapeDtypeStruct((8, 128), jnp.int32),
            jax.ShapeDtypeStruct((_BATCH, _IN), jnp.float32),
        ),
    )(roh3, xt)


def _mlp_body(gid_ref, d_ref, a1_ref, a2_ref, x_ref,
              w1_ref, b1_ref, w2_ref, b2_ref, w3_ref, b3_ref,
              lnw_ref, lnb_ref, y_ref):
    e = gid_ref[pl.program_id(0)]
    d_f = d_ref[e].astype(jnp.float32)
    a1 = a1_ref[e]
    a2 = a2_ref[e]

    x = x_ref[...].astype(jnp.bfloat16)
    h = lax.dot_general(x, w1_ref[0], (((1,), (1,)), ((), ())),
                        preferred_element_type=jnp.float32) + b1_ref[0]
    h = jnp.where(h >= 0, h, a1 * h).astype(jnp.bfloat16)
    h = lax.dot_general(h, w2_ref[0], (((1,), (1,)), ((), ())),
                        preferred_element_type=jnp.float32) + b2_ref[0]
    h = jnp.where(h >= 0, h, a2 * h).astype(jnp.bfloat16)
    h = lax.dot_general(h, w3_ref[0], (((1,), (1,)), ((), ())),
                        preferred_element_type=jnp.float32) + b3_ref[0]

    colf = (lax.broadcasted_iota(jnp.int32, (_BB, _DMAX), 1)
            < d_ref[e]).astype(jnp.float32)
    mu = jnp.sum(h * colf, axis=1, keepdims=True) / d_f
    ctr = (h - mu) * colf
    var = jnp.sum(ctr * ctr, axis=1, keepdims=True) / d_f
    y_ref[...] = ctr * (lax.rsqrt(var + 1e-5) * lnw_ref[0]) + lnb_ref[0]


def _grouped_mlp(gid, dvec, a1v, a2v, x_pad, w1, b1, w2, b2, w3, b3, lnw, lnb):
    def wmap(b, gid_ref, *_):
        return (gid_ref[b], 0, 0)

    grid_spec = pltpu.PrefetchScalarGridSpec(
        num_scalar_prefetch=4,
        grid=(_NBLK,),
        in_specs=[
            pl.BlockSpec((_BB, _IN), lambda b, *_: (b, 0)),
            pl.BlockSpec((1, 128, _IN), wmap),
            pl.BlockSpec((1, 1, 128), wmap),
            pl.BlockSpec((1, 64, 128), wmap),
            pl.BlockSpec((1, 1, 64), wmap),
            pl.BlockSpec((1, _DMAX, 64), wmap),
            pl.BlockSpec((1, 1, _DMAX), wmap),
            pl.BlockSpec((1, 1, _DMAX), wmap),
            pl.BlockSpec((1, 1, _DMAX), wmap),
        ],
        out_specs=pl.BlockSpec((_BB, _DMAX), lambda b, *_: (b, 0)),
    )
    return pl.pallas_call(
        _mlp_body,
        grid_spec=grid_spec,
        out_shape=jax.ShapeDtypeStruct((_P, _DMAX), jnp.float32),
    )(gid, dvec, a1v, a2v, x_pad, w1, b1, w2, b2, w3, b3, lnw, lnb)


def _dispatch_body(x_hbm, pos_hbm, xpad_hbm, idx_v, rows_v, sem):
    wid = lax.axis_index("s") * _NC + lax.axis_index("c")
    pltpu.sync_copy(pos_hbm.at[pl.ds(wid * _NCHUNK, _NCHUNK)], idx_v)
    for j in range(_NCHUNK):
        base = wid * _RPW + j * _RCHUNK
        pltpu.sync_copy(x_hbm.at[pl.ds(base, _RCHUNK)], rows_v)
        pltpu.async_copy(rows_v, xpad_hbm.at[idx_v.at[j]], sem).wait()


def _combine_body(ypad_hbm, pos_hbm, out_hbm, idx_v, buf_v, sem):
    wid = lax.axis_index("s") * _NC + lax.axis_index("c")
    pltpu.sync_copy(pos_hbm.at[pl.ds(wid * _NCHUNK, _NCHUNK)], idx_v)
    for j in range(_NCHUNK):
        pltpu.async_copy(ypad_hbm.at[idx_v.at[j]], buf_v, sem).wait()
        base = wid * _RPW + j * _RCHUNK
        pltpu.sync_copy(buf_v, out_hbm.at[pl.ds(base, _RCHUNK)])


@functools.lru_cache(maxsize=1)
def _sc_kernels():
    mesh = plsc.VectorSubcoreMesh(core_axis_name="c", subcore_axis_name="s",
                                  num_cores=_NC, num_subcores=_NS)
    dispatch = pl.kernel(
        _dispatch_body,
        out_type=jax.ShapeDtypeStruct((_P, _IN), jnp.float32),
        mesh=mesh,
        scratch_types=[
            pltpu.VMEM((_NCHUNK, _RCHUNK), jnp.int32),
            pltpu.VMEM((_RCHUNK, _IN), jnp.float32),
            pltpu.SemaphoreType.DMA,
        ],
    )
    combine = pl.kernel(
        _combine_body,
        out_type=jax.ShapeDtypeStruct((_BATCH, _DMAX), jnp.float32),
        mesh=mesh,
        scratch_types=[
            pltpu.VMEM((_NCHUNK, _RCHUNK), jnp.int32),
            pltpu.VMEM((_RCHUNK, _DMAX), jnp.float32),
            pltpu.SemaphoreType.DMA,
        ],
    )
    return dispatch, combine


def kernel(equalized_symbol, csi_context, noise_power, rate_one_hot, params):
    xt = jnp.concatenate(
        [equalized_symbol.T, csi_context.T, noise_power[None, :],
         jnp.zeros((_IN - _IN_RAW, _BATCH), jnp.float32)],
        axis=0).astype(jnp.bfloat16)
    roh3 = jnp.transpose(rate_one_hot.reshape(128, 128, _NE), (0, 2, 1))

    dvec = jnp.array(_LATENTS, jnp.int32)
    a1v = jnp.concatenate([p['a1'] for p in params])
    a2v = jnp.concatenate([p['a2'] for p in params])
    w1 = jnp.stack([jnp.pad(p['W1'], ((0, 0), (0, _IN - _IN_RAW)))
                    for p in params]).astype(jnp.bfloat16)
    b1 = jnp.stack([p['b1'][None] for p in params])
    w2 = jnp.stack([p['W2'] for p in params]).astype(jnp.bfloat16)
    b2 = jnp.stack([p['b2'][None] for p in params])
    w3 = jnp.stack([jnp.pad(p['W3'], ((0, _DMAX - p['W3'].shape[0]), (0, 0)))
                    for p in params]).astype(jnp.bfloat16)
    b3 = jnp.stack([jnp.pad(p['b3'], (0, _DMAX - p['b3'].shape[0]))[None]
                    for p in params])
    lnw = jnp.stack([jnp.pad(p['ln_w'], (0, _DMAX - p['ln_w'].shape[0]))[None]
                     for p in params])
    lnb = jnp.stack([jnp.pad(p['ln_b'], (0, _DMAX - p['ln_b'].shape[0]))[None]
                     for p in params])

    pos2d, be8, x = _route(roh3, xt)
    gid = be8[0, :_NBLK]

    dispatch, combine = _sc_kernels()
    x_pad = dispatch(x, pos2d)
    y_pad = _grouped_mlp(gid, dvec, a1v, a2v, x_pad,
                         w1, b1, w2, b2, w3, b3, lnw, lnb)
    return combine(y_pad, pos2d)

# --- scband reference (transcript-rebuilt; emitter-appended) ---
"""Pipeline reference for scband-channel-autoencoder-decoder-17446157156679 (READ-ONLY COPY).

The authoritative reference and input builder live on the scoring server;
editing this copy changes nothing except your own understanding.
"""

import jax, jax.numpy as jnp
import numpy as np

RATES = [1, 2, 4, 6, 8, 10]
LATENT_DIMS = [32, 64, 96, 128, 192, 256]
NUM_RX_ANTENNAS = 4
CSI_VECTOR_SIZE = 64
INPUT_DIM = NUM_RX_ANTENNAS * 2 + CSI_VECTOR_SIZE + 1
BATCH = 16384


def _init_head(key, latent_dim):
    ks = jax.random.split(key, 3)
    return {
        'W1': jax.random.normal(ks[0], (128, INPUT_DIM), jnp.float32) * (1.0 / np.sqrt(INPUT_DIM)),
        'b1': jnp.zeros((128,), jnp.float32),
        'a1': jnp.full((1,), 0.25, jnp.float32),
        'W2': jax.random.normal(ks[1], (64, 128), jnp.float32) * (1.0 / np.sqrt(128)),
        'b2': jnp.zeros((64,), jnp.float32),
        'a2': jnp.full((1,), 0.25, jnp.float32),
        'W3': jax.random.normal(ks[2], (latent_dim, 64), jnp.float32) * (1.0 / np.sqrt(64)),
        'b3': jnp.zeros((latent_dim,), jnp.float32),
        'ln_w': jnp.ones((latent_dim,), jnp.float32),
        'ln_b': jnp.zeros((latent_dim,), jnp.float32),
    }


def setup_inputs(seed: int = 0):
    key = jax.random.key(seed)
    k1, k2, k3, k4, kp = jax.random.split(key, 5)
    params = [_init_head(jax.random.fold_in(kp, i), LATENT_DIMS[i]) for i in range(len(RATES))]
    return {
        'equalized_symbol': jax.random.normal(k1, (BATCH, NUM_RX_ANTENNAS * 2), jnp.float32),
        'csi_context': jax.random.normal(k2, (BATCH, CSI_VECTOR_SIZE), jnp.float32),
        'noise_power': jax.random.uniform(k3, (BATCH,), jnp.float32),
        'rate_one_hot': jax.random.uniform(k4, (BATCH, len(RATES)), jnp.float32),
        'params': params,
    }


def _prelu(x, a):
    return jnp.where(x >= 0, x, a * x)


def _head(x, p):
    h = x @ p['W1'].T + p['b1']
    h = _prelu(h, p['a1'])
    h = h @ p['W2'].T + p['b2']
    h = _prelu(h, p['a2'])
    h = h @ p['W3'].T + p['b3']
    mu = jnp.mean(h, axis=-1, keepdims=True)
    var = jnp.mean((h - mu) ** 2, axis=-1, keepdims=True)
    h = (h - mu) / jnp.sqrt(var + 1e-5)
    return h * p['ln_w'] + p['ln_b']


def reference(equalized_symbol, csi_context, noise_power, rate_one_hot, params):
    combined = jnp.concatenate([equalized_symbol, csi_context, noise_power[:, None]], axis=1)
    batch_rate_indices = jnp.argmax(rate_one_hot, axis=1)
    max_latent = max(LATENT_DIMS)
    out = jnp.zeros((csi_context.shape[0], max_latent), combined.dtype)
    for i, p in enumerate(params):
        o = _head(combined, p)
        d = o.shape[1]
        mask = (batch_rate_indices == i)[:, None]
        out = out.at[:, :d].set(jnp.where(mask, o, out[:, :d]))
    return out

if __name__ == "__main__":
    import jax
    _d = setup_inputs()
    print(jax.jit(kernel)(*tuple(_d.values())))

</pallas_src>

<mosaic_0001>
#map = affine_map<(d0, d1) -> (0, 0)>
module attributes {stable_mosaic.version = 14 : i64} {
  func.func @_dispatch_body(%arg0: i32, %arg1: i32, %arg2: memref<16384x128xf32, #tpu.memory_space<hbm>>, %arg3: memref<128x128xi32, #tpu.memory_space<hbm>>, %arg4: memref<26624x128xf32, #tpu.memory_space<hbm>>, %arg5: memref<4x128xi32, #tpu.memory_space<vmem>>, %arg6: memref<128x128xf32, #tpu.memory_space<vmem>>, %arg7: memref<!tpu.dma_semaphore, #tpu.memory_space<semaphore_mem>>) attributes {dimension_semantics = [#tpu.dimension_semantics<core_parallel>, #tpu.dimension_semantics<subcore_parallel>], iteration_bounds = array<i64: 2, 16>, scalar_prefetch = 0 : i64, scratch_operands = 3 : i64, tpu.core_type = #tpu.core_type<sc_vector_subcore>, window_params = [{transform_indices = #map}, {transform_indices = #map}, {transform_indices = #map}]} {
    %mul3A = arith.constant 2 : i32
    %mul3A_0 = arith.muli %arg1, %mul3A : i32
    %add3A = arith.addi %mul3A_0, %arg0 : i32
    %mul3A_1 = arith.constant 4 : i32
    %mul3A_2 = arith.muli %add3A, %mul3A_1 : i32
    "tpu.region"() ({
      %run_scoped3A = tpu.sem_alloc : memref<!tpu.dma_semaphore, #tpu.memory_space<semaphore_mem>>
      %dma_start3A_73 = arith.constant 0 : i32
      %dma_start3A_74 = tpu.memref_slice %arg3[%mul3A_2, %dma_start3A_73] : memref<128x128xi32, #tpu.memory_space<hbm>> -> memref<4x128xi32, #tpu.memory_space<hbm>>
      %dma_start3A_75 = arith.constant 0 : i32
      %dma_start3A_76 = tpu.memref_slice %arg3[%mul3A_2, %dma_start3A_75] : memref<128x128xi32, #tpu.memory_space<hbm>> -> memref<4x128xi32, #tpu.memory_space<hbm>>
      tpu.enqueue_dma source(%dma_start3A_76 : memref<4x128xi32, #tpu.memory_space<hbm>>) target(%arg5 : memref<4x128xi32, #tpu.memory_space<vmem>>) target_semaphore(%run_scoped3A : memref<!tpu.dma_semaphore, #tpu.memory_space<semaphore_mem>>)
      %dma_wait3A_77 = arith.constant 0 : i32
      %dma_wait3A_78 = tpu.memref_slice %arg3[%mul3A_2, %dma_wait3A_77] : memref<128x128xi32, #tpu.memory_space<hbm>> -> memref<4x128xi32, #tpu.memory_space<hbm>>
      %dma_wait3A_79 = arith.constant 0 : i32
      %dma_wait3A_80 = tpu.memref_slice %arg3[%mul3A_2, %dma_wait3A_79] : memref<128x128xi32, #tpu.memory_space<hbm>> -> memref<4x128xi32, #tpu.memory_space<hbm>>
      tpu.wait_dma2 semaphore(%run_scoped3A : memref<!tpu.dma_semaphore, #tpu.memory_space<semaphore_mem>>) src(%dma_wait3A_80 : memref<4x128xi32, #tpu.memory_space<hbm>>) dst(%arg5 : memref<4x128xi32, #tpu.memory_space<vmem>>)
      tpu.yield
    }) : () -> ()
    %mul3A_3 = arith.constant 512 : i32
    %mul3A_4 = arith.muli %add3A, %mul3A_3 : i32
    %add3A_5 = arith.constant 0 : i32
    %add3A_6 = arith.addi %mul3A_4, %add3A_5 : i32
    "tpu.region"() ({
      %run_scoped3A = tpu.sem_alloc : memref<!tpu.dma_semaphore, #tpu.memory_space<semaphore_mem>>
      %dma_start3A_73 = arith.constant 0 : i32
      %dma_start3A_74 = tpu.memref_slice %arg2[%add3A_6, %dma_start3A_73] : memref<16384x128xf32, #tpu.memory_space<hbm>> -> memref<128x128xf32, #tpu.memory_space<hbm>>
      %dma_start3A_75 = arith.constant 0 : i32
      %dma_start3A_76 = tpu.memref_slice %arg2[%add3A_6, %dma_start3A_75] : memref<16384x128xf32, #tpu.memory_space<hbm>> -> memref<128x128xf32, #tpu.memory_space<hbm>>
      tpu.enqueue_dma source(%dma_start3A_76 : memref<128x128xf32, #tpu.memory_space<hbm>>) target(%arg6 : memref<128x128xf32, #tpu.memory_space<vmem>>) target_semaphore(%run_scoped3A : memref<!tpu.dma_semaphore, #tpu.memory_space<semaphore_mem>>)
      %dma_wait3A_77 = arith.constant 0 : i32
      %dma_wait3A_78 = tpu.memref_slice %arg2[%add3A_6, %dma_wait3A_77] : memref<16384x128xf32, #tpu.memory_space<hbm>> -> memref<128x128xf32, #tpu.memory_space<hbm>>
      %dma_wait3A_79 = arith.constant 0 : i32
      %dma_wait3A_80 = tpu.memref_slice %arg2[%add3A_6, %dma_wait3A_79] : memref<16384x128xf32, #tpu.memory_space<hbm>> -> memref<128x128xf32, #tpu.memory_space<hbm>>
      tpu.wait_dma2 semaphore(%run_scoped3A : memref<!tpu.dma_semaphore, #tpu.memory_space<semaphore_mem>>) src(%dma_wait3A_80 : memref<128x128xf32, #tpu.memory_space<hbm>>) dst(%arg6 : memref<128x128xf32, #tpu.memory_space<vmem>>)
      tpu.yield
    }) : () -> ()
    %dma_start3A = arith.constant 0 : i32
    %dma_start3A_7 = arith.constant 0 : i32
    %dma_start3A_8 = tpu.memref_slice %arg5[%dma_start3A, %dma_start3A_7] : memref<4x128xi32, #tpu.memory_space<vmem>> -> memref<1x128xi32, #tpu.memory_space<vmem>>
    %dma_start3A_9 = tpu.memref_squeeze %dma_start3A_8 : memref<1x128xi32, #tpu.memory_space<vmem>> -> memref<128xi32, #tpu.memory_space<vmem>>
    %dma_start3A_10 = arith.constant 0 : i32
    %dma_start3A_11 = arith.constant 0 : i32
    %dma_start3A_12 = tpu.memref_slice %arg4[%dma_start3A_10, %dma_start3A_11] : memref<26624x128xf32, #tpu.memory_space<hbm>> -> memref<26624x128xf32, #tpu.memory_space<hbm>>
    tpu.enqueue_indirect_dma source(%arg6 : memref<128x128xf32, #tpu.memory_space<vmem>>) target(%dma_start3A_12 : memref<26624x128xf32, #tpu.memory_space<hbm>>) offsets(%dma_start3A_9 : memref<128xi32, #tpu.memory_space<vmem>>) semaphore(%arg7 : memref<!tpu.dma_semaphore, #tpu.memory_space<semaphore_mem>>)
    %dma_wait3A = arith.constant 0 : i32
    %dma_wait3A_13 = arith.constant 0 : i32
    %dma_wait3A_14 = tpu.memref_slice %arg5[%dma_wait3A, %dma_wait3A_13] : memref<4x128xi32, #tpu.memory_space<vmem>> -> memref<1x128xi32, #tpu.memory_space<vmem>>
    %dma_wait3A_15 = tpu.memref_squeeze %dma_wait3A_14 : memref<1x128xi32, #tpu.memory_space<vmem>> -> memref<128xi32, #tpu.memory_space<vmem>>
    %dma_wait3A_16 = arith.constant 0 : i32
    %dma_wait3A_17 = arith.constant 0 : i32
    %dma_wait3A_18 = tpu.memref_slice %arg4[%dma_wait3A_16, %dma_wait3A_17] : memref<26624x128xf32, #tpu.memory_space<hbm>> -> memref<26624x128xf32, #tpu.memory_space<hbm>>
    tpu.wait_indirect_dma semaphore(%arg7 : memref<!tpu.dma_semaphore, #tpu.memory_space<semaphore_mem>>) src(%arg6 : memref<128x128xf32, #tpu.memory_space<vmem>>) dst(%dma_wait3A_18 : memref<26624x128xf32, #tpu.memory_space<hbm>>)
    %mul3A_19 = arith.constant 512 : i32
    %mul3A_20 = arith.muli %add3A, %mul3A_19 : i32
    %add3A_21 = arith.constant 128 : i32
    %add3A_22 = arith.addi %mul3A_20, %add3A_21 : i32
    "tpu.region"() ({
      %run_scoped3A = tpu.sem_alloc : memref<!tpu.dma_semaphore, #tpu.memory_space<semaphore_mem>>
      %dma_start3A_73 = arith.constant 0 : i32
      %dma_start3A_74 = tpu.memref_slice %arg2[%add3A_22, %dma_start3A_73] : memref<16384x128xf32, #tpu.memory_space<hbm>> -> memref<128x128xf32, #tpu.memory_space<hbm>>
      %dma_start3A_75 = arith.constant 0 : i32
      %dma_start3A_76 = tpu.memref_slice %arg2[%add3A_22, %dma_start3A_75] : memref<16384x128xf32, #tpu.memory_space<hbm>> -> memref<128x128xf32, #tpu.memory_space<hbm>>
      tpu.enqueue_dma source(%dma_start3A_76 : memref<128x128xf32, #tpu.memory_space<hbm>>) target(%arg6 : memref<128x128xf32, #tpu.memory_space<vmem>>) target_semaphore(%run_scoped3A : memref<!tpu.dma_semaphore, #tpu.memory_space<semaphore_mem>>)
      %dma_wait3A_77 = arith.constant 0 : i32
      %dma_wait3A_78 = tpu.memref_slice %arg2[%add3A_22, %dma_wait3A_77] : memref<16384x128xf32, #tpu.memory_space<hbm>> -> memref<128x128xf32, #tpu.memory_space<hbm>>
      %dma_wait3A_79 = arith.constant 0 : i32
      %dma_wait3A_80 = tpu.memref_slice %arg2[%add3A_22, %dma_wait3A_79] : memref<16384x128xf32, #tpu.memory_space<hbm>> -> memref<128x128xf32, #tpu.memory_space<hbm>>
      tpu.wait_dma2 semaphore(%run_scoped3A : memref<!tpu.dma_semaphore, #tpu.memory_space<semaphore_mem>>) src(%dma_wait3A_80 : memref<128x128xf32, #tpu.memory_space<hbm>>) dst(%arg6 : memref<128x128xf32, #tpu.memory_space<vmem>>)
      tpu.yield
    }) : () -> ()
    %dma_start3A_23 = arith.constant 1 : i32
    %dma_start3A_24 = arith.constant 0 : i32
    %dma_start3A_25 = tpu.memref_slice %arg5[%dma_start3A_23, %dma_start3A_24] : memref<4x128xi32, #tpu.memory_space<vmem>> -> memref<1x128xi32, #tpu.memory_space<vmem>>
    %dma_start3A_26 = tpu.memref_squeeze %dma_start3A_25 : memref<1x128xi32, #tpu.memory_space<vmem>> -> memref<128xi32, #tpu.memory_space<vmem>>
    %dma_start3A_27 = arith.constant 0 : i32
    %dma_start3A_28 = arith.constant 0 : i32
    %dma_start3A_29 = tpu.memref_slice %arg4[%dma_start3A_27, %dma_start3A_28] : memref<26624x128xf32, #tpu.memory_space<hbm>> -> memref<26624x128xf32, #tpu.memory_space<hbm>>
    tpu.enqueue_indirect_dma source(%arg6 : memref<128x128xf32, #tpu.memory_space<vmem>>) target(%dma_start3A_29 : memref<26624x128xf32, #tpu.memory_space<hbm>>) offsets(%dma_start3A_26 : memref<128xi32, #tpu.memory_space<vmem>>) semaphore(%arg7 : memref<!tpu.dma_semaphore, #tpu.memory_space<semaphore_mem>>)
    %dma_wait3A_30 = arith.constant 1 : i32
    %dma_wait3A_31 = arith.constant 0 : i32
    %dma_wait3A_32 = tpu.memref_slice %arg5[%dma_wait3A_30, %dma_wait3A_31] : memref<4x128xi32, #tpu.memory_space<vmem>> -> memref<1x128xi32, #tpu.memory_space<vmem>>
    %dma_wait3A_33 = tpu.memref_squeeze %dma_wait3A_32 : memref<1x128xi32, #tpu.memory_space<vmem>> -> memref<128xi32, #tpu.memory_space<vmem>>
    %dma_wait3A_34 = arith.constant 0 : i32
    %dma_wait3A_35 = arith.constant 0 : i32
    %dma_wait3A_36 = tpu.memref_slice %arg4[%dma_wait3A_34, %dma_wait3A_35] : memref<26624x128xf32, #tpu.memory_space<hbm>> -> memref<26624x128xf32, #tpu.memory_space<hbm>>
    tpu.wait_indirect_dma semaphore(%arg7 : memref<!tpu.dma_semaphore, #tpu.memory_space<semaphore_mem>>) src(%arg6 : memref<128x128xf32, #tpu.memory_space<vmem>>) dst(%dma_wait3A_36 : memref<26624x128xf32, #tpu.memory_space<hbm>>)
    %mul3A_37 = arith.constant 512 : i32
    %mul3A_38 = arith.muli %add3A, %mul3A_37 : i32
    %add3A_39 = arith.constant 256 : i32
    %add3A_40 = arith.addi %mul3A_38, %add3A_39 : i32
    "tpu.region"() ({
      %run_scoped3A = tpu.sem_alloc : memref<!tpu.dma_semaphore, #tpu.memory_space<semaphore_mem>>
      %dma_start3A_73 = arith.constant 0 : i32
      %dma_start3A_74 = tpu.memref_slice %arg2[%add3A_40, %dma_start3A_73] : memref<16384x128xf32, #tpu.memory_space<hbm>> -> memref<128x128xf32, #tpu.memory_space<hbm>>
      %dma_start3A_75 = arith.constant 0 : i32
      %dma_start3A_76 = tpu.memref_slice %arg2[%add3A_40, %dma_start3A_75] : memref<16384x128xf32, #tpu.memory_space<hbm>> -> memref<128x128xf32, #tpu.memory_space<hbm>>
      tpu.enqueue_dma source(%dma_start3A_76 : memref<128x128xf32, #tpu.memory_space<hbm>>) target(%arg6 : memref<128x128xf32, #tpu.memory_space<vmem>>) target_semaphore(%run_scoped3A : memref<!tpu.dma_semaphore, #tpu.memory_space<semaphore_mem>>)
      %dma_wait3A_77 = arith.constant 0 : i32
      %dma_wait3A_78 = tpu.memref_slice %arg2[%add3A_40, %dma_wait3A_77] : memref<16384x128xf32, #tpu.memory_space<hbm>> -> memref<128x128xf32, #tpu.memory_space<hbm>>
      %dma_wait3A_79 = arith.constant 0 : i32
      %dma_wait3A_80 = tpu.memref_slice %arg2[%add3A_40, %dma_wait3A_79] : memref<16384x128xf32, #tpu.memory_space<hbm>> -> memref<128x128xf32, #tpu.memory_space<hbm>>
      tpu.wait_dma2 semaphore(%run_scoped3A : memref<!tpu.dma_semaphore, #tpu.memory_space<semaphore_mem>>) src(%dma_wait3A_80 : memref<128x128xf32, #tpu.memory_space<hbm>>) dst(%arg6 : memref<128x128xf32, #tpu.memory_space<vmem>>)
      tpu.yield
    }) : () -> ()
    %dma_start3A_41 = arith.constant 2 : i32
    %dma_start3A_42 = arith.constant 0 : i32
    %dma_start3A_43 = tpu.memref_slice %arg5[%dma_start3A_41, %dma_start3A_42] : memref<4x128xi32, #tpu.memory_space<vmem>> -> memref<1x128xi32, #tpu.memory_space<vmem>>
    %dma_start3A_44 = tpu.memref_squeeze %dma_start3A_43 : memref<1x128xi32, #tpu.memory_space<vmem>> -> memref<128xi32, #tpu.memory_space<vmem>>
    %dma_start3A_45 = arith.constant 0 : i32
    %dma_start3A_46 = arith.constant 0 : i32
    %dma_start3A_47 = tpu.memref_slice %arg4[%dma_start3A_45, %dma_start3A_46] : memref<26624x128xf32, #tpu.memory_space<hbm>> -> memref<26624x128xf32, #tpu.memory_space<hbm>>
    tpu.enqueue_indirect_dma source(%arg6 : memref<128x128xf32, #tpu.memory_space<vmem>>) target(%dma_start3A_47 : memref<26624x128xf32, #tpu.memory_space<hbm>>) offsets(%dma_start3A_44 : memref<128xi32, #tpu.memory_space<vmem>>) semaphore(%arg7 : memref<!tpu.dma_semaphore, #tpu.memory_space<semaphore_mem>>)
    %dma_wait3A_48 = arith.constant 2 : i32
    %dma_wait3A_49 = arith.constant 0 : i32
    %dma_wait3A_50 = tpu.memref_slice %arg5[%dma_wait3A_48, %dma_wait3A_49] : memref<4x128xi32, #tpu.memory_space<vmem>> -> memref<1x128xi32, #tpu.memory_space<vmem>>
    %dma_wait3A_51 = tpu.memref_squeeze %dma_wait3A_50 : memref<1x128xi32, #tpu.memory_space<vmem>> -> memref<128xi32, #tpu.memory_space<vmem>>
    %dma_wait3A_52 = arith.constant 0 : i32
    %dma_wait3A_53 = arith.constant 0 : i32
    %dma_wait3A_54 = tpu.memref_slice %arg4[%dma_wait3A_52, %dma_wait3A_53] : memref<26624x128xf32, #tpu.memory_space<hbm>> -> memref<26624x128xf32, #tpu.memory_space<hbm>>
    tpu.wait_indirect_dma semaphore(%arg7 : memref<!tpu.dma_semaphore, #tpu.memory_space<semaphore_mem>>) src(%arg6 : memref<128x128xf32, #tpu.memory_space<vmem>>) dst(%dma_wait3A_54 : memref<26624x128xf32, #tpu.memory_space<hbm>>)
    %mul3A_55 = arith.constant 512 : i32
    %mul3A_56 = arith.muli %add3A, %mul3A_55 : i32
    %add3A_57 = arith.constant 384 : i32
    %add3A_58 = arith.addi %mul3A_56, %add3A_57 : i32
    "tpu.region"() ({
      %run_scoped3A = tpu.sem_alloc : memref<!tpu.dma_semaphore, #tpu.memory_space<semaphore_mem>>
      %dma_start3A_73 = arith.constant 0 : i32
      %dma_start3A_74 = tpu.memref_slice %arg2[%add3A_58, %dma_start3A_73] : memref<16384x128xf32, #tpu.memory_space<hbm>> -> memref<128x128xf32, #tpu.memory_space<hbm>>
      %dma_start3A_75 = arith.constant 0 : i32
      %dma_start3A_76 = tpu.memref_slice %arg2[%add3A_58, %dma_start3A_75] : memref<16384x128xf32, #tpu.memory_space<hbm>> -> memref<128x128xf32, #tpu.memory_space<hbm>>
      tpu.enqueue_dma source(%dma_start3A_76 : memref<128x128xf32, #tpu.memory_space<hbm>>) target(%arg6 : memref<128x128xf32, #tpu.memory_space<vmem>>) target_semaphore(%run_scoped3A : memref<!tpu.dma_semaphore, #tpu.memory_space<semaphore_mem>>)
      %dma_wait3A_77 = arith.constant 0 : i32
      %dma_wait3A_78 = tpu.memref_slice %arg2[%add3A_58, %dma_wait3A_77] : memref<16384x128xf32, #tpu.memory_space<hbm>> -> memref<128x128xf32, #tpu.memory_space<hbm>>
      %dma_wait3A_79 = arith.constant 0 : i32
      %dma_wait3A_80 = tpu.memref_slice %arg2[%add3A_58, %dma_wait3A_79] : memref<16384x128xf32, #tpu.memory_space<hbm>> -> memref<128x128xf32, #tpu.memory_space<hbm>>
      tpu.wait_dma2 semaphore(%run_scoped3A : memref<!tpu.dma_semaphore, #tpu.memory_space<semaphore_mem>>) src(%dma_wait3A_80 : memref<128x128xf32, #tpu.memory_space<hbm>>) dst(%arg6 : memref<128x128xf32, #tpu.memory_space<vmem>>)
      tpu.yield
    }) : () -> ()
    %dma_start3A_59 = arith.constant 3 : i32
    %dma_start3A_60 = arith.constant 0 : i32
    %dma_start3A_61 = tpu.memref_slice %arg5[%dma_start3A_59, %dma_start3A_60] : memref<4x128xi32, #tpu.memory_space<vmem>> -> memref<1x128xi32, #tpu.memory_space<vmem>>
    %dma_start3A_62 = tpu.memref_squeeze %dma_start3A_61 : memref<1x128xi32, #tpu.memory_space<vmem>> -> memref<128xi32, #tpu.memory_space<vmem>>
    %dma_start3A_63 = arith.constant 0 : i32
    %dma_start3A_64 = arith.constant 0 : i32
    %dma_start3A_65 = tpu.memref_slice %arg4[%dma_start3A_63, %dma_start3A_64] : memref<26624x128xf32, #tpu.memory_space<hbm>> -> memref<26624x128xf32, #tpu.memory_space<hbm>>
    tpu.enqueue_indirect_dma source(%arg6 : memref<128x128xf32, #tpu.memory_space<vmem>>) target(%dma_start3A_65 : memref<26624x128xf32, #tpu.memory_space<hbm>>) offsets(%dma_start3A_62 : memref<128xi32, #tpu.memory_space<vmem>>) semaphore(%arg7 : memref<!tpu.dma_semaphore, #tpu.memory_space<semaphore_mem>>)
    %dma_wait3A_66 = arith.constant 3 : i32
    %dma_wait3A_67 = arith.constant 0 : i32
    %dma_wait3A_68 = tpu.memref_slice %arg5[%dma_wait3A_66, %dma_wait3A_67] : memref<4x128xi32, #tpu.memory_space<vmem>> -> memref<1x128xi32, #tpu.memory_space<vmem>>
    %dma_wait3A_69 = tpu.memref_squeeze %dma_wait3A_68 : memref<1x128xi32, #tpu.memory_space<vmem>> -> memref<128xi32, #tpu.memory_space<vmem>>
    %dma_wait3A_70 = arith.constant 0 : i32
    %dma_wait3A_71 = arith.constant 0 : i32
    %dma_wait3A_72 = tpu.memref_slice %arg4[%dma_wait3A_70, %dma_wait3A_71] : memref<26624x128xf32, #tpu.memory_space<hbm>> -> memref<26624x128xf32, #tpu.memory_space<hbm>>
    tpu.wait_indirect_dma semaphore(%arg7 : memref<!tpu.dma_semaphore, #tpu.memory_space<semaphore_mem>>) src(%arg6 : memref<128x128xf32, #tpu.memory_space<vmem>>) dst(%dma_wait3A_72 : memref<26624x128xf32, #tpu.memory_space<hbm>>)
    return
  }
}

#map = affine_map<(d0, d1) -> (0, 0)>
module attributes {stable_mosaic.version = 14 : i64} {
  func.func @_combine_body(%arg0: i32, %arg1: i32, %arg2: memref<26624x256xf32, #tpu.memory_space<hbm>>, %arg3: memref<128x128xi32, #tpu.memory_space<hbm>>, %arg4: memref<16384x256xf32, #tpu.memory_space<hbm>>, %arg5: memref<4x128xi32, #tpu.memory_space<vmem>>, %arg6: memref<128x256xf32, #tpu.memory_space<vmem>>, %arg7: memref<!tpu.dma_semaphore, #tpu.memory_space<semaphore_mem>>) attributes {dimension_semantics = [#tpu.dimension_semantics<core_parallel>, #tpu.dimension_semantics<subcore_parallel>], iteration_bounds = array<i64: 2, 16>, scalar_prefetch = 0 : i64, scratch_operands = 3 : i64, tpu.core_type = #tpu.core_type<sc_vector_subcore>, window_params = [{transform_indices = #map}, {transform_indices = #map}, {transform_indices = #map}]} {
    %mul3A = arith.constant 2 : i32
    %mul3A_0 = arith.muli %arg1, %mul3A : i32
    %add3A = arith.addi %mul3A_0, %arg0 : i32
    %mul3A_1 = arith.constant 4 : i32
    %mul3A_2 = arith.muli %add3A, %mul3A_1 : i32
    "tpu.region"() ({
      %run_scoped3A = tpu.sem_alloc : memref<!tpu.dma_semaphore, #tpu.memory_space<semaphore_mem>>
      %dma_start3A_73 = arith.constant 0 : i32
      %dma_start3A_74 = tpu.memref_slice %arg3[%mul3A_2, %dma_start3A_73] : memref<128x128xi32, #tpu.memory_space<hbm>> -> memref<4x128xi32, #tpu.memory_space<hbm>>
      %dma_start3A_75 = arith.constant 0 : i32
      %dma_start3A_76 = tpu.memref_slice %arg3[%mul3A_2, %dma_start3A_75] : memref<128x128xi32, #tpu.memory_space<hbm>> -> memref<4x128xi32, #tpu.memory_space<hbm>>
      tpu.enqueue_dma source(%dma_start3A_76 : memref<4x128xi32, #tpu.memory_space<hbm>>) target(%arg5 : memref<4x128xi32, #tpu.memory_space<vmem>>) target_semaphore(%run_scoped3A : memref<!tpu.dma_semaphore, #tpu.memory_space<semaphore_mem>>)
      %dma_wait3A_77 = arith.constant 0 : i32
      %dma_wait3A_78 = tpu.memref_slice %arg3[%mul3A_2, %dma_wait3A_77] : memref<128x128xi32, #tpu.memory_space<hbm>> -> memref<4x128xi32, #tpu.memory_space<hbm>>
      %dma_wait3A_79 = arith.constant 0 : i32
      %dma_wait3A_80 = tpu.memref_slice %arg3[%mul3A_2, %dma_wait3A_79] : memref<128x128xi32, #tpu.memory_space<hbm>> -> memref<4x128xi32, #tpu.memory_space<hbm>>
      tpu.wait_dma2 semaphore(%run_scoped3A : memref<!tpu.dma_semaphore, #tpu.memory_space<semaphore_mem>>) src(%dma_wait3A_80 : memref<4x128xi32, #tpu.memory_space<hbm>>) dst(%arg5 : memref<4x128xi32, #tpu.memory_space<vmem>>)
      tpu.yield
    }) : () -> ()
    %dma_start3A = arith.constant 0 : i32
    %dma_start3A_3 = arith.constant 0 : i32
    %dma_start3A_4 = tpu.memref_slice %arg5[%dma_start3A, %dma_start3A_3] : memref<4x128xi32, #tpu.memory_space<vmem>> -> memref<1x128xi32, #tpu.memory_space<vmem>>
    %dma_start3A_5 = tpu.memref_squeeze %dma_start3A_4 : memref<1x128xi32, #tpu.memory_space<vmem>> -> memref<128xi32, #tpu.memory_space<vmem>>
    %dma_start3A_6 = arith.constant 0 : i32
    %dma_start3A_7 = arith.constant 0 : i32
    %dma_start3A_8 = tpu.memref_slice %arg2[%dma_start3A_6, %dma_start3A_7] : memref<26624x256xf32, #tpu.memory_space<hbm>> -> memref<26624x256xf32, #tpu.memory_space<hbm>>
    tpu.enqueue_indirect_dma source(%dma_start3A_8 : memref<26624x256xf32, #tpu.memory_space<hbm>>) target(%arg6 : memref<128x256xf32, #tpu.memory_space<vmem>>) offsets(%dma_start3A_5 : memref<128xi32, #tpu.memory_space<vmem>>) semaphore(%arg7 : memref<!tpu.dma_semaphore, #tpu.memory_space<semaphore_mem>>)
    %dma_wait3A = arith.constant 0 : i32
    %dma_wait3A_9 = arith.constant 0 : i32
    %dma_wait3A_10 = tpu.memref_slice %arg5[%dma_wait3A, %dma_wait3A_9] : memref<4x128xi32, #tpu.memory_space<vmem>> -> memref<1x128xi32, #tpu.memory_space<vmem>>
    %dma_wait3A_11 = tpu.memref_squeeze %dma_wait3A_10 : memref<1x128xi32, #tpu.memory_space<vmem>> -> memref<128xi32, #tpu.memory_space<vmem>>
    %dma_wait3A_12 = arith.constant 0 : i32
    %dma_wait3A_13 = arith.constant 0 : i32
    %dma_wait3A_14 = tpu.memref_slice %arg2[%dma_wait3A_12, %dma_wait3A_13] : memref<26624x256xf32, #tpu.memory_space<hbm>> -> memref<26624x256xf32, #tpu.memory_space<hbm>>
    tpu.wait_indirect_dma semaphore(%arg7 : memref<!tpu.dma_semaphore, #tpu.memory_space<semaphore_mem>>) src(%dma_wait3A_14 : memref<26624x256xf32, #tpu.memory_space<hbm>>) dst(%arg6 : memref<128x256xf32, #tpu.memory_space<vmem>>)
    %mul3A_15 = arith.constant 512 : i32
    %mul3A_16 = arith.muli %add3A, %mul3A_15 : i32
    %add3A_17 = arith.constant 0 : i32
    %add3A_18 = arith.addi %mul3A_16, %add3A_17 : i32
    "tpu.region"() ({
      %run_scoped3A = tpu.sem_alloc : memref<!tpu.dma_semaphore, #tpu.memory_space<semaphore_mem>>
      %dma_start3A_73 = arith.constant 0 : i32
      %dma_start3A_74 = tpu.memref_slice %arg4[%add3A_18, %dma_start3A_73] : memref<16384x256xf32, #tpu.memory_space<hbm>> -> memref<128x256xf32, #tpu.memory_space<hbm>>
      %dma_start3A_75 = arith.constant 0 : i32
      %dma_start3A_76 = tpu.memref_slice %arg4[%add3A_18, %dma_start3A_75] : memref<16384x256xf32, #tpu.memory_space<hbm>> -> memref<128x256xf32, #tpu.memory_space<hbm>>
      tpu.enqueue_dma source(%arg6 : memref<128x256xf32, #tpu.memory_space<vmem>>) target(%dma_start3A_76 : memref<128x256xf32, #tpu.memory_space<hbm>>) target_semaphore(%run_scoped3A : memref<!tpu.dma_semaphore, #tpu.memory_space<semaphore_mem>>)
      %dma_wait3A_77 = arith.constant 0 : i32
      %dma_wait3A_78 = tpu.memref_slice %arg4[%add3A_18, %dma_wait3A_77] : memref<16384x256xf32, #tpu.memory_space<hbm>> -> memref<128x256xf32, #tpu.memory_space<hbm>>
      %dma_wait3A_79 = arith.constant 0 : i32
      %dma_wait3A_80 = tpu.memref_slice %arg4[%add3A_18, %dma_wait3A_79] : memref<16384x256xf32, #tpu.memory_space<hbm>> -> memref<128x256xf32, #tpu.memory_space<hbm>>
      tpu.wait_dma2 semaphore(%run_scoped3A : memref<!tpu.dma_semaphore, #tpu.memory_space<semaphore_mem>>) src(%arg6 : memref<128x256xf32, #tpu.memory_space<vmem>>) dst(%dma_wait3A_80 : memref<128x256xf32, #tpu.memory_space<hbm>>)
      tpu.yield
    }) : () -> ()
    %dma_start3A_19 = arith.constant 1 : i32
    %dma_start3A_20 = arith.constant 0 : i32
    %dma_start3A_21 = tpu.memref_slice %arg5[%dma_start3A_19, %dma_start3A_20] : memref<4x128xi32, #tpu.memory_space<vmem>> -> memref<1x128xi32, #tpu.memory_space<vmem>>
    %dma_start3A_22 = tpu.memref_squeeze %dma_start3A_21 : memref<1x128xi32, #tpu.memory_space<vmem>> -> memref<128xi32, #tpu.memory_space<vmem>>
    %dma_start3A_23 = arith.constant 0 : i32
    %dma_start3A_24 = arith.constant 0 : i32
    %dma_start3A_25 = tpu.memref_slice %arg2[%dma_start3A_23, %dma_start3A_24] : memref<26624x256xf32, #tpu.memory_space<hbm>> -> memref<26624x256xf32, #tpu.memory_space<hbm>>
    tpu.enqueue_indirect_dma source(%dma_start3A_25 : memref<26624x256xf32, #tpu.memory_space<hbm>>) target(%arg6 : memref<128x256xf32, #tpu.memory_space<vmem>>) offsets(%dma_start3A_22 : memref<128xi32, #tpu.memory_space<vmem>>) semaphore(%arg7 : memref<!tpu.dma_semaphore, #tpu.memory_space<semaphore_mem>>)
    %dma_wait3A_26 = arith.constant 1 : i32
    %dma_wait3A_27 = arith.constant 0 : i32
    %dma_wait3A_28 = tpu.memref_slice %arg5[%dma_wait3A_26, %dma_wait3A_27] : memref<4x128xi32, #tpu.memory_space<vmem>> -> memref<1x128xi32, #tpu.memory_space<vmem>>
    %dma_wait3A_29 = tpu.memref_squeeze %dma_wait3A_28 : memref<1x128xi32, #tpu.memory_space<vmem>> -> memref<128xi32, #tpu.memory_space<vmem>>
    %dma_wait3A_30 = arith.constant 0 : i32
    %dma_wait3A_31 = arith.constant 0 : i32
    %dma_wait3A_32 = tpu.memref_slice %arg2[%dma_wait3A_30, %dma_wait3A_31] : memref<26624x256xf32, #tpu.memory_space<hbm>> -> memref<26624x256xf32, #tpu.memory_space<hbm>>
    tpu.wait_indirect_dma semaphore(%arg7 : memref<!tpu.dma_semaphore, #tpu.memory_space<semaphore_mem>>) src(%dma_wait3A_32 : memref<26624x256xf32, #tpu.memory_space<hbm>>) dst(%arg6 : memref<128x256xf32, #tpu.memory_space<vmem>>)
    %mul3A_33 = arith.constant 512 : i32
    %mul3A_34 = arith.muli %add3A, %mul3A_33 : i32
    %add3A_35 = arith.constant 128 : i32
    %add3A_36 = arith.addi %mul3A_34, %add3A_35 : i32
    "tpu.region"() ({
      %run_scoped3A = tpu.sem_alloc : memref<!tpu.dma_semaphore, #tpu.memory_space<semaphore_mem>>
      %dma_start3A_73 = arith.constant 0 : i32
      %dma_start3A_74 = tpu.memref_slice %arg4[%add3A_36, %dma_start3A_73] : memref<16384x256xf32, #tpu.memory_space<hbm>> -> memref<128x256xf32, #tpu.memory_space<hbm>>
      %dma_start3A_75 = arith.constant 0 : i32
      %dma_start3A_76 = tpu.memref_slice %arg4[%add3A_36, %dma_start3A_75] : memref<16384x256xf32, #tpu.memory_space<hbm>> -> memref<128x256xf32, #tpu.memory_space<hbm>>
      tpu.enqueue_dma source(%arg6 : memref<128x256xf32, #tpu.memory_space<vmem>>) target(%dma_start3A_76 : memref<128x256xf32, #tpu.memory_space<hbm>>) target_semaphore(%run_scoped3A : memref<!tpu.dma_semaphore, #tpu.memory_space<semaphore_mem>>)
      %dma_wait3A_77 = arith.constant 0 : i32
      %dma_wait3A_78 = tpu.memref_slice %arg4[%add3A_36, %dma_wait3A_77] : memref<16384x256xf32, #tpu.memory_space<hbm>> -> memref<128x256xf32, #tpu.memory_space<hbm>>
      %dma_wait3A_79 = arith.constant 0 : i32
      %dma_wait3A_80 = tpu.memref_slice %arg4[%add3A_36, %dma_wait3A_79] : memref<16384x256xf32, #tpu.memory_space<hbm>> -> memref<128x256xf32, #tpu.memory_space<hbm>>
      tpu.wait_dma2 semaphore(%run_scoped3A : memref<!tpu.dma_semaphore, #tpu.memory_space<semaphore_mem>>) src(%arg6 : memref<128x256xf32, #tpu.memory_space<vmem>>) dst(%dma_wait3A_80 : memref<128x256xf32, #tpu.memory_space<hbm>>)
      tpu.yield
    }) : () -> ()
    %dma_start3A_37 = arith.constant 2 : i32
    %dma_start3A_38 = arith.constant 0 : i32
    %dma_start3A_39 = tpu.memref_slice %arg5[%dma_start3A_37, %dma_start3A_38] : memref<4x128xi32, #tpu.memory_space<vmem>> -> memref<1x128xi32, #tpu.memory_space<vmem>>
    %dma_start3A_40 = tpu.memref_squeeze %dma_start3A_39 : memref<1x128xi32, #tpu.memory_space<vmem>> -> memref<128xi32, #tpu.memory_space<vmem>>
    %dma_start3A_41 = arith.constant 0 : i32
    %dma_start3A_42 = arith.constant 0 : i32
    %dma_start3A_43 = tpu.memref_slice %arg2[%dma_start3A_41, %dma_start3A_42] : memref<26624x256xf32, #tpu.memory_space<hbm>> -> memref<26624x256xf32, #tpu.memory_space<hbm>>
    tpu.enqueue_indirect_dma source(%dma_start3A_43 : memref<26624x256xf32, #tpu.memory_space<hbm>>) target(%arg6 : memref<128x256xf32, #tpu.memory_space<vmem>>) offsets(%dma_start3A_40 : memref<128xi32, #tpu.memory_space<vmem>>) semaphore(%arg7 : memref<!tpu.dma_semaphore, #tpu.memory_space<semaphore_mem>>)
    %dma_wait3A_44 = arith.constant 2 : i32
    %dma_wait3A_45 = arith.constant 0 : i32
    %dma_wait3A_46 = tpu.memref_slice %arg5[%dma_wait3A_44, %dma_wait3A_45] : memref<4x128xi32, #tpu.memory_space<vmem>> -> memref<1x128xi32, #tpu.memory_space<vmem>>
    %dma_wait3A_47 = tpu.memref_squeeze %dma_wait3A_46 : memref<1x128xi32, #tpu.memory_space<vmem>> -> memref<128xi32, #tpu.memory_space<vmem>>
    %dma_wait3A_48 = arith.constant 0 : i32
    %dma_wait3A_49 = arith.constant 0 : i32
    %dma_wait3A_50 = tpu.memref_slice %arg2[%dma_wait3A_48, %dma_wait3A_49] : memref<26624x256xf32, #tpu.memory_space<hbm>> -> memref<26624x256xf32, #tpu.memory_space<hbm>>
    tpu.wait_indirect_dma semaphore(%arg7 : memref<!tpu.dma_semaphore, #tpu.memory_space<semaphore_mem>>) src(%dma_wait3A_50 : memref<26624x256xf32, #tpu.memory_space<hbm>>) dst(%arg6 : memref<128x256xf32, #tpu.memory_space<vmem>>)
    %mul3A_51 = arith.constant 512 : i32
    %mul3A_52 = arith.muli %add3A, %mul3A_51 : i32
    %add3A_53 = arith.constant 256 : i32
    %add3A_54 = arith.addi %mul3A_52, %add3A_53 : i32
    "tpu.region"() ({
      %run_scoped3A = tpu.sem_alloc : memref<!tpu.dma_semaphore, #tpu.memory_space<semaphore_mem>>
      %dma_start3A_73 = arith.constant 0 : i32
      %dma_start3A_74 = tpu.memref_slice %arg4[%add3A_54, %dma_start3A_73] : memref<16384x256xf32, #tpu.memory_space<hbm>> -> memref<128x256xf32, #tpu.memory_space<hbm>>
      %dma_start3A_75 = arith.constant 0 : i32
      %dma_start3A_76 = tpu.memref_slice %arg4[%add3A_54, %dma_start3A_75] : memref<16384x256xf32, #tpu.memory_space<hbm>> -> memref<128x256xf32, #tpu.memory_space<hbm>>
      tpu.enqueue_dma source(%arg6 : memref<128x256xf32, #tpu.memory_space<vmem>>) target(%dma_start3A_76 : memref<128x256xf32, #tpu.memory_space<hbm>>) target_semaphore(%run_scoped3A : memref<!tpu.dma_semaphore, #tpu.memory_space<semaphore_mem>>)
      %dma_wait3A_77 = arith.constant 0 : i32
      %dma_wait3A_78 = tpu.memref_slice %arg4[%add3A_54, %dma_wait3A_77] : memref<16384x256xf32, #tpu.memory_space<hbm>> -> memref<128x256xf32, #tpu.memory_space<hbm>>
      %dma_wait3A_79 = arith.constant 0 : i32
      %dma_wait3A_80 = tpu.memref_slice %arg4[%add3A_54, %dma_wait3A_79] : memref<16384x256xf32, #tpu.memory_space<hbm>> -> memref<128x256xf32, #tpu.memory_space<hbm>>
      tpu.wait_dma2 semaphore(%run_scoped3A : memref<!tpu.dma_semaphore, #tpu.memory_space<semaphore_mem>>) src(%arg6 : memref<128x256xf32, #tpu.memory_space<vmem>>) dst(%dma_wait3A_80 : memref<128x256xf32, #tpu.memory_space<hbm>>)
      tpu.yield
    }) : () -> ()
    %dma_start3A_55 = arith.constant 3 : i32
    %dma_start3A_56 = arith.constant 0 : i32
    %dma_start3A_57 = tpu.memref_slice %arg5[%dma_start3A_55, %dma_start3A_56] : memref<4x128xi32, #tpu.memory_space<vmem>> -> memref<1x128xi32, #tpu.memory_space<vmem>>
    %dma_start3A_58 = tpu.memref_squeeze %dma_start3A_57 : memref<1x128xi32, #tpu.memory_space<vmem>> -> memref<128xi32, #tpu.memory_space<vmem>>
    %dma_start3A_59 = arith.constant 0 : i32
    %dma_start3A_60 = arith.constant 0 : i32
    %dma_start3A_61 = tpu.memref_slice %arg2[%dma_start3A_59, %dma_start3A_60] : memref<26624x256xf32, #tpu.memory_space<hbm>> -> memref<26624x256xf32, #tpu.memory_space<hbm>>
    tpu.enqueue_indirect_dma source(%dma_start3A_61 : memref<26624x256xf32, #tpu.memory_space<hbm>>) target(%arg6 : memref<128x256xf32, #tpu.memory_space<vmem>>) offsets(%dma_start3A_58 : memref<128xi32, #tpu.memory_space<vmem>>) semaphore(%arg7 : memref<!tpu.dma_semaphore, #tpu.memory_space<semaphore_mem>>)
    %dma_wait3A_62 = arith.constant 3 : i32
    %dma_wait3A_63 = arith.constant 0 : i32
    %dma_wait3A_64 = tpu.memref_slice %arg5[%dma_wait3A_62, %dma_wait3A_63] : memref<4x128xi32, #tpu.memory_space<vmem>> -> memref<1x128xi32, #tpu.memory_space<vmem>>
    %dma_wait3A_65 = tpu.memref_squeeze %dma_wait3A_64 : memref<1x128xi32, #tpu.memory_space<vmem>> -> memref<128xi32, #tpu.memory_space<vmem>>
    %dma_wait3A_66 = arith.constant 0 : i32
    %dma_wait3A_67 = arith.constant 0 : i32
    %dma_wait3A_68 = tpu.memref_slice %arg2[%dma_wait3A_66, %dma_wait3A_67] : memref<26624x256xf32, #tpu.memory_space<hbm>> -> memref<26624x256xf32, #tpu.memory_space<hbm>>
    tpu.wait_indirect_dma semaphore(%arg7 : memref<!tpu.dma_semaphore, #tpu.memory_space<semaphore_mem>>) src(%dma_wait3A_68 : memref<26624x256xf32, #tpu.memory_space<hbm>>) dst(%arg6 : memref<128x256xf32, #tpu.memory_space<vmem>>)
    %mul3A_69 = arith.constant 512 : i32
    %mul3A_70 = arith.muli %add3A, %mul3A_69 : i32
    %add3A_71 = arith.constant 384 : i32
    %add3A_72 = arith.addi %mul3A_70, %add3A_71 : i32
    "tpu.region"() ({
      %run_scoped3A = tpu.sem_alloc : memref<!tpu.dma_semaphore, #tpu.memory_space<semaphore_mem>>
      %dma_start3A_73 = arith.constant 0 : i32
      %dma_start3A_74 = tpu.memref_slice %arg4[%add3A_72, %dma_start3A_73] : memref<16384x256xf32, #tpu.memory_space<hbm>> -> memref<128x256xf32, #tpu.memory_space<hbm>>
      %dma_start3A_75 = arith.constant 0 : i32
      %dma_start3A_76 = tpu.memref_slice %arg4[%add3A_72, %dma_start3A_75] : memref<16384x256xf32, #tpu.memory_space<hbm>> -> memref<128x256xf32, #tpu.memory_space<hbm>>
      tpu.enqueue_dma source(%arg6 : memref<128x256xf32, #tpu.memory_space<vmem>>) target(%dma_start3A_76 : memref<128x256xf32, #tpu.memory_space<hbm>>) target_semaphore(%run_scoped3A : memref<!tpu.dma_semaphore, #tpu.memory_space<semaphore_mem>>)
      %dma_wait3A_77 = arith.constant 0 : i32
      %dma_wait3A_78 = tpu.memref_slice %arg4[%add3A_72, %dma_wait3A_77] : memref<16384x256xf32, #tpu.memory_space<hbm>> -> memref<128x256xf32, #tpu.memory_space<hbm>>
      %dma_wait3A_79 = arith.constant 0 : i32
      %dma_wait3A_80 = tpu.memref_slice %arg4[%add3A_72, %dma_wait3A_79] : memref<16384x256xf32, #tpu.memory_space<hbm>> -> memref<128x256xf32, #tpu.memory_space<hbm>>
      tpu.wait_dma2 semaphore(%run_scoped3A : memref<!tpu.dma_semaphore, #tpu.memory_space<semaphore_mem>>) src(%arg6 : memref<128x256xf32, #tpu.memory_space<vmem>>) dst(%dma_wait3A_80 : memref<128x256xf32, #tpu.memory_space<hbm>>)
      tpu.yield
    }) : () -> ()
    return
  }
}

module attributes {stable_mosaic.version = 14 : i64} {
  func.func @_routing_body(%arg0: i32, %arg1: memref<128x6x128xf32, #tpu.memory_space<vmem>>, %arg2: memref<128x1024xbf16, #tpu.memory_space<vmem>>, %arg3: memref<128x128xi32, #tpu.memory_space<vmem>>, %arg4: memref<8x128xi32, #tpu.memory_space<vmem>>, %arg5: memref<1024x128xf32, #tpu.memory_space<vmem>>) attributes {dimension_semantics = [#tpu.dimension_semantics<arbitrary>], iteration_bounds = array<i64: 16>, scalar_prefetch = 0 : i64, scratch_operands = 0 : i64, tpu.core_type = #tpu.core_type<tc>, window_params = [{pipeline_mode = #tpu.pipeline_mode<synchronous>, transform_indices = @transform_0, window_bounds = array<i64: 128, 6, 128>}, {transform_indices = @transform_1, window_bounds = array<i64: 128, 1024>}, {pipeline_mode = #tpu.pipeline_mode<synchronous>, transform_indices = @transform_2, window_bounds = array<i64: 128, 128>}, {pipeline_mode = #tpu.pipeline_mode<synchronous>, transform_indices = @transform_3, window_bounds = array<i64: 8, 128>}, {transform_indices = @transform_4, window_bounds = array<i64: 1024, 128>}]} {
    %get3A = arith.constant 0 : index
    %get3A_0 = arith.constant 0 : index
    %get3A_1 = vector.load %arg2[%get3A, %get3A_0] : memref<128x1024xbf16, #tpu.memory_space<vmem>>, vector<128x128xbf16>
    %transpose3A = tpu.transpose %get3A_1, [1, 0] : vector<128x128xbf16> -> vector<128x128xbf16>
    %convert_element_type3A = arith.extf %transpose3A : vector<128x128xbf16> to vector<128x128xf32>
    %swap3A = arith.constant 0 : index
    %swap3A_2 = arith.constant 0 : index
    %swap3A_3 = vector.load %arg5[%swap3A, %swap3A_2] : memref<1024x128xf32, #tpu.memory_space<vmem>>, vector<128x128xf32>
    tpu.vector_store %arg5[%swap3A, %swap3A_2], %convert_element_type3A {strides = array<i32>} : memref<1024x128xf32, #tpu.memory_space<vmem>>, vector<128x128xf32>,
    %get3A_4 = arith.constant 0 : index
    %get3A_5 = arith.constant 128 : index
    %get3A_6 = vector.load %arg2[%get3A_4, %get3A_5] : memref<128x1024xbf16, #tpu.memory_space<vmem>>, vector<128x128xbf16>
    %transpose3A_7 = tpu.transpose %get3A_6, [1, 0] : vector<128x128xbf16> -> vector<128x128xbf16>
    %convert_element_type3A_8 = arith.extf %transpose3A_7 : vector<128x128xbf16> to vector<128x128xf32>
    %swap3A_9 = arith.constant 128 : index
    %swap3A_10 = arith.constant 0 : index
    %swap3A_11 = vector.load %arg5[%swap3A_9, %swap3A_10] : memref<1024x128xf32, #tpu.memory_space<vmem>>, vector<128x128xf32>
    tpu.vector_store %arg5[%swap3A_9, %swap3A_10], %convert_element_type3A_8 {strides = array<i32>} : memref<1024x128xf32, #tpu.memory_space<vmem>>, vector<128x128xf32>,
    %get3A_12 = arith.constant 0 : index
    %get3A_13 = arith.constant 256 : index
    %get3A_14 = vector.load %arg2[%get3A_12, %get3A_13] : memref<128x1024xbf16, #tpu.memory_space<vmem>>, vector<128x128xbf16>
    %transpose3A_15 = tpu.transpose %get3A_14, [1, 0] : vector<128x128xbf16> -> vector<128x128xbf16>
    %convert_element_type3A_16 = arith.extf %transpose3A_15 : vector<128x128xbf16> to vector<128x128xf32>
    %swap3A_17 = arith.constant 256 : index
    %swap3A_18 = arith.constant 0 : index
    %swap3A_19 = vector.load %arg5[%swap3A_17, %swap3A_18] : memref<1024x128xf32, #tpu.memory_space<vmem>>, vector<128x128xf32>
    tpu.vector_store %arg5[%swap3A_17, %swap3A_18], %convert_element_type3A_16 {strides = array<i32>} : memref<1024x128xf32, #tpu.memory_space<vmem>>, vector<128x128xf32>,
    %get3A_20 = arith.constant 0 : index
    %get3A_21 = arith.constant 384 : index
    %get3A_22 = vector.load %arg2[%get3A_20, %get3A_21] : memref<128x1024xbf16, #tpu.memory_space<vmem>>, vector<128x128xbf16>
    %transpose3A_23 = tpu.transpose %get3A_22, [1, 0] : vector<128x128xbf16> -> vector<128x128xbf16>
    %convert_element_type3A_24 = arith.extf %transpose3A_23 : vector<128x128xbf16> to vector<128x128xf32>
    %swap3A_25 = arith.constant 384 : index
    %swap3A_26 = arith.constant 0 : index
    %swap3A_27 = vector.load %arg5[%swap3A_25, %swap3A_26] : memref<1024x128xf32, #tpu.memory_space<vmem>>, vector<128x128xf32>
    tpu.vector_store %arg5[%swap3A_25, %swap3A_26], %convert_element_type3A_24 {strides = array<i32>} : memref<1024x128xf32, #tpu.memory_space<vmem>>, vector<128x128xf32>,
    %get3A_28 = arith.constant 0 : index
    %get3A_29 = arith.constant 512 : index
    %get3A_30 = vector.load %arg2[%get3A_28, %get3A_29] : memref<128x1024xbf16, #tpu.memory_space<vmem>>, vector<128x128xbf16>
    %transpose3A_31 = tpu.transpose %get3A_30, [1, 0] : vector<128x128xbf16> -> vector<128x128xbf16>
    %convert_element_type3A_32 = arith.extf %transpose3A_31 : vector<128x128xbf16> to vector<128x128xf32>
    %swap3A_33 = arith.constant 512 : index
    %swap3A_34 = arith.constant 0 : index
    %swap3A_35 = vector.load %arg5[%swap3A_33, %swap3A_34] : memref<1024x128xf32, #tpu.memory_space<vmem>>, vector<128x128xf32>
    tpu.vector_store %arg5[%swap3A_33, %swap3A_34], %convert_element_type3A_32 {strides = array<i32>} : memref<1024x128xf32, #tpu.memory_space<vmem>>, vector<128x128xf32>,
    %get3A_36 = arith.constant 0 : index
    %get3A_37 = arith.constant 640 : index
    %get3A_38 = vector.load %arg2[%get3A_36, %get3A_37] : memref<128x1024xbf16, #tpu.memory_space<vmem>>, vector<128x128xbf16>
    %transpose3A_39 = tpu.transpose %get3A_38, [1, 0] : vector<128x128xbf16> -> vector<128x128xbf16>
    %convert_element_type3A_40 = arith.extf %transpose3A_39 : vector<128x128xbf16> to vector<128x128xf32>
    %swap3A_41 = arith.constant 640 : index
    %swap3A_42 = arith.constant 0 : index
    %swap3A_43 = vector.load %arg5[%swap3A_41, %swap3A_42] : memref<1024x128xf32, #tpu.memory_space<vmem>>, vector<128x128xf32>
    tpu.vector_store %arg5[%swap3A_41, %swap3A_42], %convert_element_type3A_40 {strides = array<i32>} : memref<1024x128xf32, #tpu.memory_space<vmem>>, vector<128x128xf32>,
    %get3A_44 = arith.constant 0 : index
    %get3A_45 = arith.constant 768 : index
    %get3A_46 = vector.load %arg2[%get3A_44, %get3A_45] : memref<128x1024xbf16, #tpu.memory_space<vmem>>, vector<128x128xbf16>
    %transpose3A_47 = tpu.transpose %get3A_46, [1, 0] : vector<128x128xbf16> -> vector<128x128xbf16>
    %convert_element_type3A_48 = arith.extf %transpose3A_47 : vector<128x128xbf16> to vector<128x128xf32>
    %swap3A_49 = arith.constant 768 : index
    %swap3A_50 = arith.constant 0 : index
    %swap3A_51 = vector.load %arg5[%swap3A_49, %swap3A_50] : memref<1024x128xf32, #tpu.memory_space<vmem>>, vector<128x128xf32>
    tpu.vector_store %arg5[%swap3A_49, %swap3A_50], %convert_element_type3A_48 {strides = array<i32>} : memref<1024x128xf32, #tpu.memory_space<vmem>>, vector<128x128xf32>,
    %get3A_52 = arith.constant 0 : index
    %get3A_53 = arith.constant 896 : index
    %get3A_54 = vector.load %arg2[%get3A_52, %get3A_53] : memref<128x1024xbf16, #tpu.memory_space<vmem>>, vector<128x128xbf16>
    %transpose3A_55 = tpu.transpose %get3A_54, [1, 0] : vector<128x128xbf16> -> vector<128x128xbf16>
    %convert_element_type3A_56 = arith.extf %transpose3A_55 : vector<128x128xbf16> to vector<128x128xf32>
    %swap3A_57 = arith.constant 896 : index
    %swap3A_58 = arith.constant 0 : index
    %swap3A_59 = vector.load %arg5[%swap3A_57, %swap3A_58] : memref<1024x128xf32, #tpu.memory_space<vmem>>, vector<128x128xf32>
    tpu.vector_store %arg5[%swap3A_57, %swap3A_58], %convert_element_type3A_56 {strides = array<i32>} : memref<1024x128xf32, #tpu.memory_space<vmem>>, vector<128x128xf32>,
    %eq3A = arith.constant 0 : i32
    %eq3A_60 = arith.cmpi eq, %arg0, %eq3A : i32
    %convert_element_type3A_61 = arith.extui %eq3A_60 : i1 to i32
    %cond3A = arith.constant 0 : i32
    %cond3A_62 = arith.cmpi ne, %convert_element_type3A_61, %cond3A : i32
    scf.if %cond3A_62 {
      %get3A_63 = arith.constant 0 : index
      %get3A_64 = arith.constant 0 : index
      %get3A_65 = arith.constant 0 : index
      %get3A_66 = vector.load %arg1[%get3A_63, %get3A_64, %get3A_65] : memref<128x6x128xf32, #tpu.memory_space<vmem>>, vector<128x1x128xf32>
      %get3A_67 = vector.shape_cast %get3A_66 : vector<128x1x128xf32> to vector<128x128xf32>
      %get3A_68 = arith.constant 0 : index
      %get3A_69 = arith.constant 1 : index
      %get3A_70 = arith.constant 0 : index
      %get3A_71 = vector.load %arg1[%get3A_68, %get3A_69, %get3A_70] : memref<128x6x128xf32, #tpu.memory_space<vmem>>, vector<128x1x128xf32>
      %get3A_72 = vector.shape_cast %get3A_71 : vector<128x1x128xf32> to vector<128x128xf32>
      %get3A_73 = arith.constant 0 : index
      %get3A_74 = arith.constant 2 : index
      %get3A_75 = arith.constant 0 : index
      %get3A_76 = vector.load %arg1[%get3A_73, %get3A_74, %get3A_75] : memref<128x6x128xf32, #tpu.memory_space<vmem>>, vector<128x1x128xf32>
      %get3A_77 = vector.shape_cast %get3A_76 : vector<128x1x128xf32> to vector<128x128xf32>
      %get3A_78 = arith.constant 0 : index
      %get3A_79 = arith.constant 3 : index
      %get3A_80 = arith.constant 0 : index
      %get3A_81 = vector.load %arg1[%get3A_78, %get3A_79, %get3A_80] : memref<128x6x128xf32, #tpu.memory_space<vmem>>, vector<128x1x128xf32>
      %get3A_82 = vector.shape_cast %get3A_81 : vector<128x1x128xf32> to vector<128x128xf32>
      %get3A_83 = arith.constant 0 : index
      %get3A_84 = arith.constant 4 : index
      %get3A_85 = arith.constant 0 : index
      %get3A_86 = vector.load %arg1[%get3A_83, %get3A_84, %get3A_85] : memref<128x6x128xf32, #tpu.memory_space<vmem>>, vector<128x1x128xf32>
      %get3A_87 = vector.shape_cast %get3A_86 : vector<128x1x128xf32> to vector<128x128xf32>
      %get3A_88 = arith.constant 0 : index
      %get3A_89 = arith.constant 5 : index
      %get3A_90 = arith.constant 0 : index
      %get3A_91 = vector.load %arg1[%get3A_88, %get3A_89, %get3A_90] : memref<128x6x128xf32, #tpu.memory_space<vmem>>, vector<128x1x128xf32>
      %get3A_92 = vector.shape_cast %get3A_91 : vector<128x1x128xf32> to vector<128x128xf32>
      %max3A = arith.maximumf %get3A_67, %get3A_72 : vector<128x128xf32>
      %max3A_93 = arith.maximumf %max3A, %get3A_77 : vector<128x128xf32>
      %max3A_94 = arith.maximumf %max3A_93, %get3A_82 : vector<128x128xf32>
      %max3A_95 = arith.maximumf %max3A_94, %get3A_87 : vector<128x128xf32>
      %max3A_96 = arith.maximumf %max3A_95, %get3A_92 : vector<128x128xf32>
      %broadcast_in_dim3A = arith.constant 6 : i32
      %broadcast_in_dim3A_97 = vector.broadcast %broadcast_in_dim3A : i32 to vector<128x128xi32>
      %eq3A_98 = arith.cmpf oeq, %get3A_92, %max3A_96 : vector<128x128xf32>
      %jit3A = arith.constant 5 : i32
      %broadcast_in_dim3A_99 = vector.broadcast %jit3A : i32 to vector<128x128xi32>
      %select_n3A = arith.select %eq3A_98, %broadcast_in_dim3A_99, %broadcast_in_dim3A_97 : vector<128x128xi1>, vector<128x128xi32>
      %eq3A_100 = arith.cmpf oeq, %get3A_87, %max3A_96 : vector<128x128xf32>
      %jit3A_101 = arith.constant 4 : i32
      %broadcast_in_dim3A_102 = vector.broadcast %jit3A_101 : i32 to vector<128x128xi32>
      %select_n3A_103 = arith.select %eq3A_100, %broadcast_in_dim3A_102, %select_n3A : vector<128x128xi1>, vector<128x128xi32>
      %eq3A_104 = arith.cmpf oeq, %get3A_82, %max3A_96 : vector<128x128xf32>
      %jit3A_105 = arith.constant 3 : i32
      %broadcast_in_dim3A_106 = vector.broadcast %jit3A_105 : i32 to vector<128x128xi32>
      %select_n3A_107 = arith.select %eq3A_104, %broadcast_in_dim3A_106, %select_n3A_103 : vector<128x128xi1>, vector<128x128xi32>
      %eq3A_108 = arith.cmpf oeq, %get3A_77, %max3A_96 : vector<128x128xf32>
      %jit3A_109 = arith.constant 2 : i32
      %broadcast_in_dim3A_110 = vector.broadcast %jit3A_109 : i32 to vector<128x128xi32>
      %select_n3A_111 = arith.select %eq3A_108, %broadcast_in_dim3A_110, %select_n3A_107 : vector<128x128xi1>, vector<128x128xi32>
      %eq3A_112 = arith.cmpf oeq, %get3A_72, %max3A_96 : vector<128x128xf32>
      %jit3A_113 = arith.constant 1 : i32
      %broadcast_in_dim3A_114 = vector.broadcast %jit3A_113 : i32 to vector<128x128xi32>
      %select_n3A_115 = arith.select %eq3A_112, %broadcast_in_dim3A_114, %select_n3A_111 : vector<128x128xi1>, vector<128x128xi32>
      %eq3A_116 = arith.cmpf oeq, %get3A_67, %max3A_96 : vector<128x128xf32>
      %jit3A_117 = arith.constant 0 : i32
      %broadcast_in_dim3A_118 = vector.broadcast %jit3A_117 : i32 to vector<128x128xi32>
      %select_n3A_119 = arith.select %eq3A_116, %broadcast_in_dim3A_118, %select_n3A_115 : vector<128x128xi1>, vector<128x128xi32>
      %iota3A = tpu.iota {dimensions = array<i32: 0>} : vector<128x128xi32>
      %iota3A_120 = tpu.iota {dimensions = array<i32: 1>} : vector<128x128xi32>
      %le3A = arith.cmpi sle, %iota3A, %iota3A_120 : vector<128x128xi32>
      %convert_element_type3A_121 = arith.extui %le3A : vector<128x128xi1> to vector<128x128xi32>
      %convert_element_type3A_122 = arith.sitofp %convert_element_type3A_121 : vector<128x128xi32> to vector<128x128xf32>
      %lt3A = arith.cmpi slt, %iota3A_120, %iota3A : vector<128x128xi32>
      %convert_element_type3A_123 = arith.extui %lt3A : vector<128x128xi1> to vector<128x128xi32>
      %convert_element_type3A_124 = arith.sitofp %convert_element_type3A_123 : vector<128x128xi32> to vector<128x128xf32>
      %eq3A_125 = arith.constant 0 : i32
      %eq3A_126 = vector.broadcast %eq3A_125 : i32 to vector<128x128xi32>
      %eq3A_127 = arith.cmpi eq, %select_n3A_119, %eq3A_126 : vector<128x128xi32>
      %convert_element_type3A_128 = arith.extui %eq3A_127 : vector<128x128xi1> to vector<128x128xi32>
      %convert_element_type3A_129 = arith.sitofp %convert_element_type3A_128 : vector<128x128xi32> to vector<128x128xf32>
      %dot_general3A = arith.constant dense<0.000000e+00> : vector<128x128xf32>
      %dot_general3A_130 = tpu.matmul %convert_element_type3A_129, %convert_element_type3A_122, %dot_general3A {dimension_numbers = #tpu.dot_dimension_numbers<[1], [0], [0], [1], [0, 0, 1, 1], [], []>, transpose_lhs_hint = false} : vector<128x128xf32>, vector<128x128xf32>, vector<128x128xf32> -> vector<128x128xf32>
      %reduce_sum3A = arith.constant dense<0.000000e+00> : vector<128xf32>
      %reduce_sum3A_131 = vector.multi_reduction <add>, %convert_element_type3A_129, %reduce_sum3A [1] : vector<128x128xf32> to vector<128xf32>
      %broadcast_in_dim3A_132 = vector.shape_cast %reduce_sum3A_131 : vector<128xf32> to vector<128x1xf32>
      %dot_general3A_133 = arith.constant dense<0.000000e+00> : vector<128x1xf32>
      %dot_general3A_134 = tpu.matmul %convert_element_type3A_124, %broadcast_in_dim3A_132, %dot_general3A_133 {dimension_numbers = #tpu.dot_dimension_numbers<[1], [0], [0], [1], [0, 0, 1, 1], [], []>, transpose_lhs_hint = false} : vector<128x128xf32>, vector<128x1xf32>, vector<128x1xf32> -> vector<128x1xf32>
      %sub3A = arith.subf %dot_general3A_130, %convert_element_type3A_129 : vector<128x128xf32>
      %add3A = vector.broadcast %dot_general3A_134 : vector<128x1xf32> to vector<128x128xf32>
      %add3A_135 = arith.addf %sub3A, %add3A : vector<128x128xf32>
      %reduce_sum3A_136 = vector.shape_cast %convert_element_type3A_129 : vector<128x128xf32> to vector<1x128x128xf32>
      %reduce_sum3A_137 = arith.constant dense<0.000000e+00> : vector<1xf32>
      %reduce_sum3A_138 = vector.multi_reduction <add>, %reduce_sum3A_136, %reduce_sum3A_137 [1, 2] : vector<1x128x128xf32> to vector<1xf32>
      %reduce_sum3A_139 = vector.shape_cast %reduce_sum3A_138 : vector<1xf32> to vector<1x1x1xf32>
      %reduce_sum3A_140 = vector.extract %reduce_sum3A_139[0, 0, 0] : f32 from vector<1x1x1xf32>
      %eq3A_141 = arith.constant 1 : i32
      %eq3A_142 = vector.broadcast %eq3A_141 : i32 to vector<128x128xi32>
      %eq3A_143 = arith.cmpi eq, %select_n3A_119, %eq3A_142 : vector<128x128xi32>
      %convert_element_type3A_144 = arith.extui %eq3A_143 : vector<128x128xi1> to vector<128x128xi32>
      %convert_element_type3A_145 = arith.sitofp %convert_element_type3A_144 : vector<128x128xi32> to vector<128x128xf32>
      %dot_general3A_146 = arith.constant dense<0.000000e+00> : vector<128x128xf32>
      %dot_general3A_147 = tpu.matmul %convert_element_type3A_145, %convert_element_type3A_122, %dot_general3A_146 {dimension_numbers = #tpu.dot_dimension_numbers<[1], [0], [0], [1], [0, 0, 1, 1], [], []>, transpose_lhs_hint = false} : vector<128x128xf32>, vector<128x128xf32>, vector<128x128xf32> -> vector<128x128xf32>
      %reduce_sum3A_148 = arith.constant dense<0.000000e+00> : vector<128xf32>
      %reduce_sum3A_149 = vector.multi_reduction <add>, %convert_element_type3A_145, %reduce_sum3A_148 [1] : vector<128x128xf32> to vector<128xf32>
      %broadcast_in_dim3A_150 = vector.shape_cast %reduce_sum3A_149 : vector<128xf32> to vector<128x1xf32>
      %dot_general3A_151 = arith.constant dense<0.000000e+00> : vector<128x1xf32>
      %dot_general3A_152 = tpu.matmul %convert_element_type3A_124, %broadcast_in_dim3A_150, %dot_general3A_151 {dimension_numbers = #tpu.dot_dimension_numbers<[1], [0], [0], [1], [0, 0, 1, 1], [], []>, transpose_lhs_hint = false} : vector<128x128xf32>, vector<128x1xf32>, vector<128x1xf32> -> vector<128x1xf32>
      %sub3A_153 = arith.subf %dot_general3A_147, %convert_element_type3A_145 : vector<128x128xf32>
      %add3A_154 = vector.broadcast %dot_general3A_152 : vector<128x1xf32> to vector<128x128xf32>
      %add3A_155 = arith.addf %sub3A_153, %add3A_154 : vector<128x128xf32>
      %reduce_sum3A_156 = vector.shape_cast %convert_element_type3A_145 : vector<128x128xf32> to vector<1x128x128xf32>
      %reduce_sum3A_157 = arith.constant dense<0.000000e+00> : vector<1xf32>
      %reduce_sum3A_158 = vector.multi_reduction <add>, %reduce_sum3A_156, %reduce_sum3A_157 [1, 2] : vector<1x128x128xf32> to vector<1xf32>
      %reduce_sum3A_159 = vector.shape_cast %reduce_sum3A_158 : vector<1xf32> to vector<1x1x1xf32>
      %reduce_sum3A_160 = vector.extract %reduce_sum3A_159[0, 0, 0] : f32 from vector<1x1x1xf32>
      %eq3A_161 = arith.constant 2 : i32
      %eq3A_162 = vector.broadcast %eq3A_161 : i32 to vector<128x128xi32>
      %eq3A_163 = arith.cmpi eq, %select_n3A_119, %eq3A_162 : vector<128x128xi32>
      %convert_element_type3A_164 = arith.extui %eq3A_163 : vector<128x128xi1> to vector<128x128xi32>
      %convert_element_type3A_165 = arith.sitofp %convert_element_type3A_164 : vector<128x128xi32> to vector<128x128xf32>
      %dot_general3A_166 = arith.constant dense<0.000000e+00> : vector<128x128xf32>
      %dot_general3A_167 = tpu.matmul %convert_element_type3A_165, %convert_element_type3A_122, %dot_general3A_166 {dimension_numbers = #tpu.dot_dimension_numbers<[1], [0], [0], [1], [0, 0, 1, 1], [], []>, transpose_lhs_hint = false} : vector<128x128xf32>, vector<128x128xf32>, vector<128x128xf32> -> vector<128x128xf32>
      %reduce_sum3A_168 = arith.constant dense<0.000000e+00> : vector<128xf32>
      %reduce_sum3A_169 = vector.multi_reduction <add>, %convert_element_type3A_165, %reduce_sum3A_168 [1] : vector<128x128xf32> to vector<128xf32>
      %broadcast_in_dim3A_170 = vector.shape_cast %reduce_sum3A_169 : vector<128xf32> to vector<128x1xf32>
      %dot_general3A_171 = arith.constant dense<0.000000e+00> : vector<128x1xf32>
      %dot_general3A_172 = tpu.matmul %convert_element_type3A_124, %broadcast_in_dim3A_170, %dot_general3A_171 {dimension_numbers = #tpu.dot_dimension_numbers<[1], [0], [0], [1], [0, 0, 1, 1], [], []>, transpose_lhs_hint = false} : vector<128x128xf32>, vector<128x1xf32>, vector<128x1xf32> -> vector<128x1xf32>
      %sub3A_173 = arith.subf %dot_general3A_167, %convert_element_type3A_165 : vector<128x128xf32>
      %add3A_174 = vector.broadcast %dot_general3A_172 : vector<128x1xf32> to vector<128x128xf32>
      %add3A_175 = arith.addf %sub3A_173, %add3A_174 : vector<128x128xf32>
      %reduce_sum3A_176 = vector.shape_cast %convert_element_type3A_165 : vector<128x128xf32> to vector<1x128x128xf32>
      %reduce_sum3A_177 = arith.constant dense<0.000000e+00> : vector<1xf32>
      %reduce_sum3A_178 = vector.multi_reduction <add>, %reduce_sum3A_176, %reduce_sum3A_177 [1, 2] : vector<1x128x128xf32> to vector<1xf32>
      %reduce_sum3A_179 = vector.shape_cast %reduce_sum3A_178 : vector<1xf32> to vector<1x1x1xf32>
      %reduce_sum3A_180 = vector.extract %reduce_sum3A_179[0, 0, 0] : f32 from vector<1x1x1xf32>
      %eq3A_181 = arith.constant 3 : i32
      %eq3A_182 = vector.broadcast %eq3A_181 : i32 to vector<128x128xi32>
      %eq3A_183 = arith.cmpi eq, %select_n3A_119, %eq3A_182 : vector<128x128xi32>
      %convert_element_type3A_184 = arith.extui %eq3A_183 : vector<128x128xi1> to vector<128x128xi32>
      %convert_element_type3A_185 = arith.sitofp %convert_element_type3A_184 : vector<128x128xi32> to vector<128x128xf32>
      %dot_general3A_186 = arith.constant dense<0.000000e+00> : vector<128x128xf32>
      %dot_general3A_187 = tpu.matmul %convert_element_type3A_185, %convert_element_type3A_122, %dot_general3A_186 {dimension_numbers = #tpu.dot_dimension_numbers<[1], [0], [0], [1], [0, 0, 1, 1], [], []>, transpose_lhs_hint = false} : vector<128x128xf32>, vector<128x128xf32>, vector<128x128xf32> -> vector<128x128xf32>
      %reduce_sum3A_188 = arith.constant dense<0.000000e+00> : vector<128xf32>
      %reduce_sum3A_189 = vector.multi_reduction <add>, %convert_element_type3A_185, %reduce_sum3A_188 [1] : vector<128x128xf32> to vector<128xf32>
      %broadcast_in_dim3A_190 = vector.shape_cast %reduce_sum3A_189 : vector<128xf32> to vector<128x1xf32>
      %dot_general3A_191 = arith.constant dense<0.000000e+00> : vector<128x1xf32>
      %dot_general3A_192 = tpu.matmul %convert_element_type3A_124, %broadcast_in_dim3A_190, %dot_general3A_191 {dimension_numbers = #tpu.dot_dimension_numbers<[1], [0], [0], [1], [0, 0, 1, 1], [], []>, transpose_lhs_hint = false} : vector<128x128xf32>, vector<128x1xf32>, vector<128x1xf32> -> vector<128x1xf32>
      %sub3A_193 = arith.subf %dot_general3A_187, %convert_element_type3A_185 : vector<128x128xf32>
      %add3A_194 = vector.broadcast %dot_general3A_192 : vector<128x1xf32> to vector<128x128xf32>
      %add3A_195 = arith.addf %sub3A_193, %add3A_194 : vector<128x128xf32>
      %reduce_sum3A_196 = vector.shape_cast %convert_element_type3A_185 : vector<128x128xf32> to vector<1x128x128xf32>
      %reduce_sum3A_197 = arith.constant dense<0.000000e+00> : vector<1xf32>
      %reduce_sum3A_198 = vector.multi_reduction <add>, %reduce_sum3A_196, %reduce_sum3A_197 [1, 2] : vector<1x128x128xf32> to vector<1xf32>
      %reduce_sum3A_199 = vector.shape_cast %reduce_sum3A_198 : vector<1xf32> to vector<1x1x1xf32>
      %reduce_sum3A_200 = vector.extract %reduce_sum3A_199[0, 0, 0] : f32 from vector<1x1x1xf32>
      %eq3A_201 = arith.constant 4 : i32
      %eq3A_202 = vector.broadcast %eq3A_201 : i32 to vector<128x128xi32>
      %eq3A_203 = arith.cmpi eq, %select_n3A_119, %eq3A_202 : vector<128x128xi32>
      %convert_element_type3A_204 = arith.extui %eq3A_203 : vector<128x128xi1> to vector<128x128xi32>
      %convert_element_type3A_205 = arith.sitofp %convert_element_type3A_204 : vector<128x128xi32> to vector<128x128xf32>
      %dot_general3A_206 = arith.constant dense<0.000000e+00> : vector<128x128xf32>
      %dot_general3A_207 = tpu.matmul %convert_element_type3A_205, %convert_element_type3A_122, %dot_general3A_206 {dimension_numbers = #tpu.dot_dimension_numbers<[1], [0], [0], [1], [0, 0, 1, 1], [], []>, transpose_lhs_hint = false} : vector<128x128xf32>, vector<128x128xf32>, vector<128x128xf32> -> vector<128x128xf32>
      %reduce_sum3A_208 = arith.constant dense<0.000000e+00> : vector<128xf32>
      %reduce_sum3A_209 = vector.multi_reduction <add>, %convert_element_type3A_205, %reduce_sum3A_208 [1] : vector<128x128xf32> to vector<128xf32>
      %broadcast_in_dim3A_210 = vector.shape_cast %reduce_sum3A_209 : vector<128xf32> to vector<128x1xf32>
      %dot_general3A_211 = arith.constant dense<0.000000e+00> : vector<128x1xf32>
      %dot_general3A_212 = tpu.matmul %convert_element_type3A_124, %broadcast_in_dim3A_210, %dot_general3A_211 {dimension_numbers = #tpu.dot_dimension_numbers<[1], [0], [0], [1], [0, 0, 1, 1], [], []>, transpose_lhs_hint = false} : vector<128x128xf32>, vector<128x1xf32>, vector<128x1xf32> -> vector<128x1xf32>
      %sub3A_213 = arith.subf %dot_general3A_207, %convert_element_type3A_205 : vector<128x128xf32>
      %add3A_214 = vector.broadcast %dot_general3A_212 : vector<128x1xf32> to vector<128x128xf32>
      %add3A_215 = arith.addf %sub3A_213, %add3A_214 : vector<128x128xf32>
      %reduce_sum3A_216 = vector.shape_cast %convert_element_type3A_205 : vector<128x128xf32> to vector<1x128x128xf32>
      %reduce_sum3A_217 = arith.constant dense<0.000000e+00> : vector<1xf32>
      %reduce_sum3A_218 = vector.multi_reduction <add>, %reduce_sum3A_216, %reduce_sum3A_217 [1, 2] : vector<1x128x128xf32> to vector<1xf32>
      %reduce_sum3A_219 = vector.shape_cast %reduce_sum3A_218 : vector<1xf32> to vector<1x1x1xf32>
      %reduce_sum3A_220 = vector.extract %reduce_sum3A_219[0, 0, 0] : f32 from vector<1x1x1xf32>
      %eq3A_221 = arith.constant 5 : i32
      %eq3A_222 = vector.broadcast %eq3A_221 : i32 to vector<128x128xi32>
      %eq3A_223 = arith.cmpi eq, %select_n3A_119, %eq3A_222 : vector<128x128xi32>
      %convert_element_type3A_224 = arith.extui %eq3A_223 : vector<128x128xi1> to vector<128x128xi32>
      %convert_element_type3A_225 = arith.sitofp %convert_element_type3A_224 : vector<128x128xi32> to vector<128x128xf32>
      %dot_general3A_226 = arith.constant dense<0.000000e+00> : vector<128x128xf32>
      %dot_general3A_227 = tpu.matmul %convert_element_type3A_225, %convert_element_type3A_122, %dot_general3A_226 {dimension_numbers = #tpu.dot_dimension_numbers<[1], [0], [0], [1], [0, 0, 1, 1], [], []>, transpose_lhs_hint = false} : vector<128x128xf32>, vector<128x128xf32>, vector<128x128xf32> -> vector<128x128xf32>
      %reduce_sum3A_228 = arith.constant dense<0.000000e+00> : vector<128xf32>
      %reduce_sum3A_229 = vector.multi_reduction <add>, %convert_element_type3A_225, %reduce_sum3A_228 [1] : vector<128x128xf32> to vector<128xf32>
      %broadcast_in_dim3A_230 = vector.shape_cast %reduce_sum3A_229 : vector<128xf32> to vector<128x1xf32>
      %dot_general3A_231 = arith.constant dense<0.000000e+00> : vector<128x1xf32>
      %dot_general3A_232 = tpu.matmul %convert_element_type3A_124, %broadcast_in_dim3A_230, %dot_general3A_231 {dimension_numbers = #tpu.dot_dimension_numbers<[1], [0], [0], [1], [0, 0, 1, 1], [], []>, transpose_lhs_hint = false} : vector<128x128xf32>, vector<128x1xf32>, vector<128x1xf32> -> vector<128x1xf32>
      %sub3A_233 = arith.subf %dot_general3A_227, %convert_element_type3A_225 : vector<128x128xf32>
      %add3A_234 = vector.broadcast %dot_general3A_232 : vector<128x1xf32> to vector<128x128xf32>
      %add3A_235 = arith.addf %sub3A_233, %add3A_234 : vector<128x128xf32>
      %convert_element_type3A_236 = arith.fptosi %reduce_sum3A_140 : f32 to i32
      %add3A_237 = arith.constant 2048 : i32
      %add3A_238 = arith.addi %convert_element_type3A_236, %add3A_237 : i32
      %sub3A_239 = arith.constant 1 : i32
      %sub3A_240 = arith.subi %add3A_238, %sub3A_239 : i32
      %jit3A_241 = arith.constant 2048 : i32
      %div3A = arith.divsi %sub3A_240, %jit3A_241 : i32
      %sign3A = arith.constant 0 : i32
      %sign3A_242 = arith.cmpi sgt, %sub3A_240, %sign3A : i32
      %sign3A_243 = arith.extui %sign3A_242 : i1 to i32
      %sign3A_244 = arith.constant 0 : i32
      %sign3A_245 = arith.cmpi slt, %sub3A_240, %sign3A_244 : i32
      %sign3A_246 = arith.extui %sign3A_245 : i1 to i32
      %sign3A_247 = arith.subi %sign3A_243, %sign3A_246 : i32
      %sign3A_248 = arith.constant 0 : i32
      %sign3A_249 = arith.cmpi sgt, %jit3A_241, %sign3A_248 : i32
      %sign3A_250 = arith.extui %sign3A_249 : i1 to i32
      %sign3A_251 = arith.constant 0 : i32
      %sign3A_252 = arith.cmpi slt, %jit3A_241, %sign3A_251 : i32
      %sign3A_253 = arith.extui %sign3A_252 : i1 to i32
      %sign3A_254 = arith.subi %sign3A_250, %sign3A_253 : i32
      %ne3A = arith.cmpi ne, %sign3A_247, %sign3A_254 : i32
      %rem3A = arith.remsi %sub3A_240, %jit3A_241 : i32
      %ne3A_255 = arith.constant 0 : i32
      %ne3A_256 = arith.cmpi ne, %rem3A, %ne3A_255 : i32
      %and3A = arith.andi %ne3A, %ne3A_256 : i1
      %sub3A_257 = arith.constant 1 : i32
      %sub3A_258 = arith.subi %div3A, %sub3A_257 : i32
      %select_n3A_259 = arith.select %and3A, %sub3A_258, %div3A : i32
      %add3A_260 = arith.constant 0 : i32
      %add3A_261 = arith.addi %add3A_260, %select_n3A_259 : i32
      %convert_element_type3A_262 = arith.fptosi %reduce_sum3A_160 : f32 to i32
      %add3A_263 = arith.constant 2048 : i32
      %add3A_264 = arith.addi %convert_element_type3A_262, %add3A_263 : i32
      %sub3A_265 = arith.constant 1 : i32
      %sub3A_266 = arith.subi %add3A_264, %sub3A_265 : i32
      %jit3A_267 = arith.constant 2048 : i32
      %div3A_268 = arith.divsi %sub3A_266, %jit3A_267 : i32
      %sign3A_269 = arith.constant 0 : i32
      %sign3A_270 = arith.cmpi sgt, %sub3A_266, %sign3A_269 : i32
      %sign3A_271 = arith.extui %sign3A_270 : i1 to i32
      %sign3A_272 = arith.constant 0 : i32
      %sign3A_273 = arith.cmpi slt, %sub3A_266, %sign3A_272 : i32
      %sign3A_274 = arith.extui %sign3A_273 : i1 to i32
      %sign3A_275 = arith.subi %sign3A_271, %sign3A_274 : i32
      %sign3A_276 = arith.constant 0 : i32
      %sign3A_277 = arith.cmpi sgt, %jit3A_267, %sign3A_276 : i32
      %sign3A_278 = arith.extui %sign3A_277 : i1 to i32
      %sign3A_279 = arith.constant 0 : i32
      %sign3A_280 = arith.cmpi slt, %jit3A_267, %sign3A_279 : i32
      %sign3A_281 = arith.extui %sign3A_280 : i1 to i32
      %sign3A_282 = arith.subi %sign3A_278, %sign3A_281 : i32
      %ne3A_283 = arith.cmpi ne, %sign3A_275, %sign3A_282 : i32
      %rem3A_284 = arith.remsi %sub3A_266, %jit3A_267 : i32
      %ne3A_285 = arith.constant 0 : i32
      %ne3A_286 = arith.cmpi ne, %rem3A_284, %ne3A_285 : i32
      %and3A_287 = arith.andi %ne3A_283, %ne3A_286 : i1
      %sub3A_288 = arith.constant 1 : i32
      %sub3A_289 = arith.subi %div3A_268, %sub3A_288 : i32
      %select_n3A_290 = arith.select %and3A_287, %sub3A_289, %div3A_268 : i32
      %add3A_291 = arith.addi %add3A_261, %select_n3A_290 : i32
      %convert_element_type3A_292 = arith.fptosi %reduce_sum3A_180 : f32 to i32
      %add3A_293 = arith.constant 2048 : i32
      %add3A_294 = arith.addi %convert_element_type3A_292, %add3A_293 : i32
      %sub3A_295 = arith.constant 1 : i32
      %sub3A_296 = arith.subi %add3A_294, %sub3A_295 : i32
      %jit3A_297 = arith.constant 2048 : i32
      %div3A_298 = arith.divsi %sub3A_296, %jit3A_297 : i32
      %sign3A_299 = arith.constant 0 : i32
      %sign3A_300 = arith.cmpi sgt, %sub3A_296, %sign3A_299 : i32
      %sign3A_301 = arith.extui %sign3A_300 : i1 to i32
      %sign3A_302 = arith.constant 0 : i32
      %sign3A_303 = arith.cmpi slt, %sub3A_296, %sign3A_302 : i32
      %sign3A_304 = arith.extui %sign3A_303 : i1 to i32
      %sign3A_305 = arith.subi %sign3A_301, %sign3A_304 : i32
      %sign3A_306 = arith.constant 0 : i32
      %sign3A_307 = arith.cmpi sgt, %jit3A_297, %sign3A_306 : i32
      %sign3A_308 = arith.extui %sign3A_307 : i1 to i32
      %sign3A_309 = arith.constant 0 : i32
      %sign3A_310 = arith.cmpi slt, %jit3A_297, %sign3A_309 : i32
      %sign3A_311 = arith.extui %sign3A_310 : i1 to i32
      %sign3A_312 = arith.subi %sign3A_308, %sign3A_311 : i32
      %ne3A_313 = arith.cmpi ne, %sign3A_305, %sign3A_312 : i32
      %rem3A_314 = arith.remsi %sub3A_296, %jit3A_297 : i32
      %ne3A_315 = arith.constant 0 : i32
      %ne3A_316 = arith.cmpi ne, %rem3A_314, %ne3A_315 : i32
      %and3A_317 = arith.andi %ne3A_313, %ne3A_316 : i1
      %sub3A_318 = arith.constant 1 : i32
      %sub3A_319 = arith.subi %div3A_298, %sub3A_318 : i32
      %select_n3A_320 = arith.select %and3A_317, %sub3A_319, %div3A_298 : i32
      %add3A_321 = arith.addi %add3A_291, %select_n3A_320 : i32
      %convert_element_type3A_322 = arith.fptosi %reduce_sum3A_200 : f32 to i32
      %add3A_323 = arith.constant 2048 : i32
      %add3A_324 = arith.addi %convert_element_type3A_322, %add3A_323 : i32
      %sub3A_325 = arith.constant 1 : i32
      %sub3A_326 = arith.subi %add3A_324, %sub3A_325 : i32
      %jit3A_327 = arith.constant 2048 : i32
      %div3A_328 = arith.divsi %sub3A_326, %jit3A_327 : i32
      %sign3A_329 = arith.constant 0 : i32
      %sign3A_330 = arith.cmpi sgt, %sub3A_326, %sign3A_329 : i32
      %sign3A_331 = arith.extui %sign3A_330 : i1 to i32
      %sign3A_332 = arith.constant 0 : i32
      %sign3A_333 = arith.cmpi slt, %sub3A_326, %sign3A_332 : i32
      %sign3A_334 = arith.extui %sign3A_333 : i1 to i32
      %sign3A_335 = arith.subi %sign3A_331, %sign3A_334 : i32
      %sign3A_336 = arith.constant 0 : i32
      %sign3A_337 = arith.cmpi sgt, %jit3A_327, %sign3A_336 : i32
      %sign3A_338 = arith.extui %sign3A_337 : i1 to i32
      %sign3A_339 = arith.constant 0 : i32
      %sign3A_340 = arith.cmpi slt, %jit3A_327, %sign3A_339 : i32
      %sign3A_341 = arith.extui %sign3A_340 : i1 to i32
      %sign3A_342 = arith.subi %sign3A_338, %sign3A_341 : i32
      %ne3A_343 = arith.cmpi ne, %sign3A_335, %sign3A_342 : i32
      %rem3A_344 = arith.remsi %sub3A_326, %jit3A_327 : i32
      %ne3A_345 = arith.constant 0 : i32
      %ne3A_346 = arith.cmpi ne, %rem3A_344, %ne3A_345 : i32
      %and3A_347 = arith.andi %ne3A_343, %ne3A_346 : i1
      %sub3A_348 = arith.constant 1 : i32
      %sub3A_349 = arith.subi %div3A_328, %sub3A_348 : i32
      %select_n3A_350 = arith.select %and3A_347, %sub3A_349, %div3A_328 : i32
      %add3A_351 = arith.addi %add3A_321, %select_n3A_350 : i32
      %convert_element_type3A_352 = arith.fptosi %reduce_sum3A_220 : f32 to i32
      %add3A_353 = arith.constant 2048 : i32
      %add3A_354 = arith.addi %convert_element_type3A_352, %add3A_353 : i32
      %sub3A_355 = arith.constant 1 : i32
      %sub3A_356 = arith.subi %add3A_354, %sub3A_355 : i32
      %jit3A_357 = arith.constant 2048 : i32
      %div3A_358 = arith.divsi %sub3A_356, %jit3A_357 : i32
      %sign3A_359 = arith.constant 0 : i32
      %sign3A_360 = arith.cmpi sgt, %sub3A_356, %sign3A_359 : i32
      %sign3A_361 = arith.extui %sign3A_360 : i1 to i32
      %sign3A_362 = arith.constant 0 : i32
      %sign3A_363 = arith.cmpi slt, %sub3A_356, %sign3A_362 : i32
      %sign3A_364 = arith.extui %sign3A_363 : i1 to i32
      %sign3A_365 = arith.subi %sign3A_361, %sign3A_364 : i32
      %sign3A_366 = arith.constant 0 : i32
      %sign3A_367 = arith.cmpi sgt, %jit3A_357, %sign3A_366 : i32
      %sign3A_368 = arith.extui %sign3A_367 : i1 to i32
      %sign3A_369 = arith.constant 0 : i32
      %sign3A_370 = arith.cmpi slt, %jit3A_357, %sign3A_369 : i32
      %sign3A_371 = arith.extui %sign3A_370 : i1 to i32
      %sign3A_372 = arith.subi %sign3A_368, %sign3A_371 : i32
      %ne3A_373 = arith.cmpi ne, %sign3A_365, %sign3A_372 : i32
      %rem3A_374 = arith.remsi %sub3A_356, %jit3A_357 : i32
      %ne3A_375 = arith.constant 0 : i32
      %ne3A_376 = arith.cmpi ne, %rem3A_374, %ne3A_375 : i32
      %and3A_377 = arith.andi %ne3A_373, %ne3A_376 : i1
      %sub3A_378 = arith.constant 1 : i32
      %sub3A_379 = arith.subi %div3A_358, %sub3A_378 : i32
      %select_n3A_380 = arith.select %and3A_377, %sub3A_379, %div3A_358 : i32
      %add3A_381 = arith.addi %add3A_351, %select_n3A_380 : i32
      %broadcast_in_dim3A_382 = arith.constant 0.000000e+00 : f32
      %broadcast_in_dim3A_383 = vector.broadcast %broadcast_in_dim3A_382 : f32 to vector<128x128xf32>
      %add3A_384 = arith.constant 0.000000e+00 : f32
      %add3A_385 = vector.broadcast %add3A_384 : f32 to vector<128x128xf32>
      %add3A_386 = arith.addf %add3A_135, %add3A_385 : vector<128x128xf32>
      %mul3A = arith.mulf %convert_element_type3A_129, %add3A_386 : vector<128x128xf32>
      %add3A_387 = arith.addf %broadcast_in_dim3A_383, %mul3A : vector<128x128xf32>
      %mul3A_388 = arith.constant 2048 : i32
      %mul3A_389 = arith.muli %add3A_261, %mul3A_388 : i32
      %convert_element_type3A_390 = arith.sitofp %mul3A_389 : i32 to f32
      %add3A_391 = vector.broadcast %convert_element_type3A_390 : f32 to vector<128x128xf32>
      %add3A_392 = arith.addf %add3A_155, %add3A_391 : vector<128x128xf32>
      %mul3A_393 = arith.mulf %convert_element_type3A_145, %add3A_392 : vector<128x128xf32>
      %add3A_394 = arith.addf %add3A_387, %mul3A_393 : vector<128x128xf32>
      %mul3A_395 = arith.constant 2048 : i32
      %mul3A_396 = arith.muli %add3A_291, %mul3A_395 : i32
      %convert_element_type3A_397 = arith.sitofp %mul3A_396 : i32 to f32
      %add3A_398 = vector.broadcast %convert_element_type3A_397 : f32 to vector<128x128xf32>
      %add3A_399 = arith.addf %add3A_175, %add3A_398 : vector<128x128xf32>
      %mul3A_400 = arith.mulf %convert_element_type3A_165, %add3A_399 : vector<128x128xf32>
      %add3A_401 = arith.addf %add3A_394, %mul3A_400 : vector<128x128xf32>
      %mul3A_402 = arith.constant 2048 : i32
      %mul3A_403 = arith.muli %add3A_321, %mul3A_402 : i32
      %convert_element_type3A_404 = arith.sitofp %mul3A_403 : i32 to f32
      %add3A_405 = vector.broadcast %convert_element_type3A_404 : f32 to vector<128x128xf32>
      %add3A_406 = arith.addf %add3A_195, %add3A_405 : vector<128x128xf32>
      %mul3A_407 = arith.mulf %convert_element_type3A_185, %add3A_406 : vector<128x128xf32>
      %add3A_408 = arith.addf %add3A_401, %mul3A_407 : vector<128x128xf32>
      %mul3A_409 = arith.constant 2048 : i32
      %mul3A_410 = arith.muli %add3A_351, %mul3A_409 : i32
      %convert_element_type3A_411 = arith.sitofp %mul3A_410 : i32 to f32
      %add3A_412 = vector.broadcast %convert_element_type3A_411 : f32 to vector<128x128xf32>
      %add3A_413 = arith.addf %add3A_215, %add3A_412 : vector<128x128xf32>
      %mul3A_414 = arith.mulf %convert_element_type3A_205, %add3A_413 : vector<128x128xf32>
      %add3A_415 = arith.addf %add3A_408, %mul3A_414 : vector<128x128xf32>
      %mul3A_416 = arith.constant 2048 : i32
      %mul3A_417 = arith.muli %add3A_381, %mul3A_416 : i32
      %convert_element_type3A_418 = arith.sitofp %mul3A_417 : i32 to f32
      %add3A_419 = vector.broadcast %convert_element_type3A_418 : f32 to vector<128x128xf32>
      %add3A_420 = arith.addf %add3A_235, %add3A_419 : vector<128x128xf32>
      %mul3A_421 = arith.mulf %convert_element_type3A_225, %add3A_420 : vector<128x128xf32>
      %add3A_422 = arith.addf %add3A_415, %mul3A_421 : vector<128x128xf32>
      %convert_element_type3A_423 = arith.fptosi %add3A_422 : vector<128x128xf32> to vector<128x128xi32>
      %swap3A_424 = arith.constant 0 : index
      %swap3A_425 = arith.constant 0 : index
      %swap3A_426 = vector.load %arg3[%swap3A_424, %swap3A_425] : memref<128x128xi32, #tpu.memory_space<vmem>>, vector<128x128xi32>
      tpu.vector_store %arg3[%swap3A_424, %swap3A_425], %convert_element_type3A_423 {strides = array<i32>} : memref<128x128xi32, #tpu.memory_space<vmem>>, vector<128x128xi32>,
      %iota3A_427 = tpu.iota {dimensions = array<i32: 1>} : vector<8x128xi32>
      %broadcast_in_dim3A_428 = arith.constant -1 : i32
      %broadcast_in_dim3A_429 = vector.broadcast %broadcast_in_dim3A_428 : i32 to vector<8x128xi32>
      %ge3A = arith.constant 0 : i32
      %ge3A_430 = vector.broadcast %ge3A : i32 to vector<8x128xi32>
      %ge3A_431 = arith.cmpi sge, %iota3A_427, %ge3A_430 : vector<8x128xi32>
      %jit3A_432 = arith.constant 1 : i32
      %jit3A_433 = arith.constant 0 : i32
      %broadcast_in_dim3A_434 = vector.broadcast %jit3A_432 : i32 to vector<8x128xi32>
      %broadcast_in_dim3A_435 = vector.broadcast %jit3A_433 : i32 to vector<8x128xi32>
      %select_n3A_436 = arith.select %ge3A_431, %broadcast_in_dim3A_434, %broadcast_in_dim3A_435 : vector<8x128xi1>, vector<8x128xi32>
      %add3A_437 = arith.addi %broadcast_in_dim3A_429, %select_n3A_436 : vector<8x128xi32>
      %ge3A_438 = vector.broadcast %add3A_261 : i32 to vector<8x128xi32>
      %ge3A_439 = arith.cmpi sge, %iota3A_427, %ge3A_438 : vector<8x128xi32>
      %jit3A_440 = arith.constant 1 : i32
      %jit3A_441 = arith.constant 0 : i32
      %broadcast_in_dim3A_442 = vector.broadcast %jit3A_440 : i32 to vector<8x128xi32>
      %broadcast_in_dim3A_443 = vector.broadcast %jit3A_441 : i32 to vector<8x128xi32>
      %select_n3A_444 = arith.select %ge3A_439, %broadcast_in_dim3A_442, %broadcast_in_dim3A_443 : vector<8x128xi1>, vector<8x128xi32>
      %add3A_445 = arith.addi %add3A_437, %select_n3A_444 : vector<8x128xi32>
      %ge3A_446 = vector.broadcast %add3A_291 : i32 to vector<8x128xi32>
      %ge3A_447 = arith.cmpi sge, %iota3A_427, %ge3A_446 : vector<8x128xi32>
      %jit3A_448 = arith.constant 1 : i32
      %jit3A_449 = arith.constant 0 : i32
      %broadcast_in_dim3A_450 = vector.broadcast %jit3A_448 : i32 to vector<8x128xi32>
      %broadcast_in_dim3A_451 = vector.broadcast %jit3A_449 : i32 to vector<8x128xi32>
      %select_n3A_452 = arith.select %ge3A_447, %broadcast_in_dim3A_450, %broadcast_in_dim3A_451 : vector<8x128xi1>, vector<8x128xi32>
      %add3A_453 = arith.addi %add3A_445, %select_n3A_452 : vector<8x128xi32>
      %ge3A_454 = vector.broadcast %add3A_321 : i32 to vector<8x128xi32>
      %ge3A_455 = arith.cmpi sge, %iota3A_427, %ge3A_454 : vector<8x128xi32>
      %jit3A_456 = arith.constant 1 : i32
      %jit3A_457 = arith.constant 0 : i32
      %broadcast_in_dim3A_458 = vector.broadcast %jit3A_456 : i32 to vector<8x128xi32>
      %broadcast_in_dim3A_459 = vector.broadcast %jit3A_457 : i32 to vector<8x128xi32>
      %select_n3A_460 = arith.select %ge3A_455, %broadcast_in_dim3A_458, %broadcast_in_dim3A_459 : vector<8x128xi1>, vector<8x128xi32>
      %add3A_461 = arith.addi %add3A_453, %select_n3A_460 : vector<8x128xi32>
      %ge3A_462 = vector.broadcast %add3A_351 : i32 to vector<8x128xi32>
      %ge3A_463 = arith.cmpi sge, %iota3A_427, %ge3A_462 : vector<8x128xi32>
      %jit3A_464 = arith.constant 1 : i32
      %jit3A_465 = arith.constant 0 : i32
      %broadcast_in_dim3A_466 = vector.broadcast %jit3A_464 : i32 to vector<8x128xi32>
      %broadcast_in_dim3A_467 = vector.broadcast %jit3A_465 : i32 to vector<8x128xi32>
      %select_n3A_468 = arith.select %ge3A_463, %broadcast_in_dim3A_466, %broadcast_in_dim3A_467 : vector<8x128xi1>, vector<8x128xi32>
      %add3A_469 = arith.addi %add3A_461, %select_n3A_468 : vector<8x128xi32>
      %ge3A_470 = vector.broadcast %add3A_381 : i32 to vector<8x128xi32>
      %ge3A_471 = arith.cmpi sge, %iota3A_427, %ge3A_470 : vector<8x128xi32>
      %jit3A_472 = arith.constant 1 : i32
      %jit3A_473 = arith.constant 0 : i32
      %broadcast_in_dim3A_474 = vector.broadcast %jit3A_472 : i32 to vector<8x128xi32>
      %broadcast_in_dim3A_475 = vector.broadcast %jit3A_473 : i32 to vector<8x128xi32>
      %select_n3A_476 = arith.select %ge3A_471, %broadcast_in_dim3A_474, %broadcast_in_dim3A_475 : vector<8x128xi1>, vector<8x128xi32>
      %add3A_477 = arith.addi %add3A_469, %select_n3A_476 : vector<8x128xi32>
      %swap3A_478 = arith.constant 0 : index
      %swap3A_479 = arith.constant 0 : index
      %swap3A_480 = vector.load %arg4[%swap3A_478, %swap3A_479] : memref<8x128xi32, #tpu.memory_space<vmem>>, vector<8x128xi32>
      tpu.vector_store %arg4[%swap3A_478, %swap3A_479], %add3A_477 {strides = array<i32>} : memref<8x128xi32, #tpu.memory_space<vmem>>, vector<8x128xi32>,
    } else {
    }
    return
  }
  func.func @transform_0(%arg0: i32) -> (i32, i32, i32) {
    %c0_i32 = arith.constant 0 : i32
    %c0_i32_0 = arith.constant 0 : i32
    %c0_i32_1 = arith.constant 0 : i32
    %c0_i32_2 = arith.constant 0 : i32
    return %c0_i32, %c0_i32_0, %c0_i32_1 : i32, i32, i32
  }
  func.func @transform_1(%arg0: i32) -> (i32, i32) {
    %c0_i32 = arith.constant 0 : i32
    %c0_i32_0 = arith.constant 0 : i32
    return %c0_i32, %arg0 : i32, i32
  }
  func.func @transform_2(%arg0: i32) -> (i32, i32) {
    %c0_i32 = arith.constant 0 : i32
    %c0_i32_0 = arith.constant 0 : i32
    %c0_i32_1 = arith.constant 0 : i32
    return %c0_i32, %c0_i32_0 : i32, i32
  }
  func.func @transform_3(%arg0: i32) -> (i32, i32) {
    %c0_i32 = arith.constant 0 : i32
    %c0_i32_0 = arith.constant 0 : i32
    %c0_i32_1 = arith.constant 0 : i32
    return %c0_i32, %c0_i32_0 : i32, i32
  }
  func.func @transform_4(%arg0: i32) -> (i32, i32) {
    %c0_i32 = arith.constant 0 : i32
    %c0_i32_0 = arith.constant 0 : i32
    return %arg0, %c0_i32 : i32, i32
  }
}

module attributes {stable_mosaic.version = 14 : i64} {
  func.func @_mlp_body(%arg0: i32, %arg1: memref<13xi32, #tpu.memory_space<smem>>, %arg2: memref<6xi32, #tpu.memory_space<smem>>, %arg3: memref<6xf32, #tpu.memory_space<smem>>, %arg4: memref<6xf32, #tpu.memory_space<smem>>, %arg5: memref<2048x128xf32, #tpu.memory_space<vmem>>, %arg6: memref<1x128x128xbf16, #tpu.memory_space<vmem>>, %arg7: memref<1x1x128xf32, #tpu.memory_space<vmem>>, %arg8: memref<1x64x128xbf16, #tpu.memory_space<vmem>>, %arg9: memref<1x1x64xf32, #tpu.memory_space<vmem>>, %arg10: memref<1x256x64xbf16, #tpu.memory_space<vmem>>, %arg11: memref<1x1x256xf32, #tpu.memory_space<vmem>>, %arg12: memref<1x1x256xf32, #tpu.memory_space<vmem>>, %arg13: memref<1x1x256xf32, #tpu.memory_space<vmem>>, %arg14: memref<2048x256xf32, #tpu.memory_space<vmem>>) attributes {dimension_semantics = [#tpu.dimension_semantics<arbitrary>], iteration_bounds = array<i64: 13>, scalar_prefetch = 4 : i64, scratch_operands = 0 : i64, tpu.core_type = #tpu.core_type<tc>, window_params = [{transform_indices = @transform_0, window_bounds = array<i64: 2048, 128>}, {transform_indices = @transform_1, window_bounds = array<i64: 1, 128, 128>}, {transform_indices = @transform_2, window_bounds = array<i64: 1, 1, 128>}, {transform_indices = @transform_3, window_bounds = array<i64: 1, 64, 128>}, {transform_indices = @transform_4, window_bounds = array<i64: 1, 1, 64>}, {transform_indices = @transform_5, window_bounds = array<i64: 1, 256, 64>}, {transform_indices = @transform_6, window_bounds = array<i64: 1, 1, 256>}, {transform_indices = @transform_7, window_bounds = array<i64: 1, 1, 256>}, {transform_indices = @transform_8, window_bounds = array<i64: 1, 1, 256>}, {transform_indices = @transform_9, window_bounds = array<i64: 2048, 256>}]} {
    %get3A = arith.index_cast %arg0 : i32 to index
    %get3A_0 = memref.load %arg1[%get3A] : memref<13xi32, #tpu.memory_space<smem>>
    %get3A_1 = arith.index_cast %get3A_0 : i32 to index
    %get3A_2 = memref.load %arg2[%get3A_1] : memref<6xi32, #tpu.memory_space<smem>>
    %convert_element_type3A = arith.sitofp %get3A_2 : i32 to f32
    %get3A_3 = arith.index_cast %get3A_0 : i32 to index
    %get3A_4 = memref.load %arg3[%get3A_3] : memref<6xf32, #tpu.memory_space<smem>>
    %get3A_5 = arith.index_cast %get3A_0 : i32 to index
    %get3A_6 = memref.load %arg4[%get3A_5] : memref<6xf32, #tpu.memory_space<smem>>
    %get3A_7 = arith.constant 0 : index
    %get3A_8 = arith.constant 0 : index
    %get3A_9 = vector.load %arg5[%get3A_7, %get3A_8] : memref<2048x128xf32, #tpu.memory_space<vmem>>, vector<2048x128xf32>
    %convert_element_type3A_10 = arith.truncf %get3A_9 : vector<2048x128xf32> to vector<2048x128xbf16>
    %get3A_11 = arith.constant 0 : index
    %get3A_12 = arith.constant 0 : index
    %get3A_13 = arith.constant 0 : index
    %get3A_14 = vector.load %arg6[%get3A_11, %get3A_12, %get3A_13] : memref<1x128x128xbf16, #tpu.memory_space<vmem>>, vector<1x128x128xbf16>
    %get3A_15 = vector.shape_cast %get3A_14 : vector<1x128x128xbf16> to vector<128x128xbf16>
    %dot_general3A = arith.constant dense<0.000000e+00> : vector<2048x128xf32>
    %dot_general3A_16 = tpu.matmul %convert_element_type3A_10, %get3A_15, %dot_general3A {dimension_numbers = #tpu.dot_dimension_numbers<[1], [1], [0], [0], [0, 0, 1, 0], [], []>, transpose_lhs_hint = false} : vector<2048x128xbf16>, vector<128x128xbf16>, vector<2048x128xf32> -> vector<2048x128xf32>
    %get3A_17 = arith.constant 0 : index
    %get3A_18 = arith.constant 0 : index
    %get3A_19 = arith.constant 0 : index
    %get3A_20 = vector.load %arg7[%get3A_17, %get3A_18, %get3A_19] : memref<1x1x128xf32, #tpu.memory_space<vmem>>, vector<1x1x128xf32>
    %get3A_21 = vector.shape_cast %get3A_20 : vector<1x1x128xf32> to vector<1x128xf32>
    %add3A = vector.broadcast %get3A_21 : vector<1x128xf32> to vector<2048x128xf32>
    %add3A_22 = arith.addf %dot_general3A_16, %add3A : vector<2048x128xf32>
    %ge3A = arith.constant 0.000000e+00 : f32
    %ge3A_23 = vector.broadcast %ge3A : f32 to vector<2048x128xf32>
    %ge3A_24 = arith.cmpf oge, %add3A_22, %ge3A_23 : vector<2048x128xf32>
    %mul3A = vector.broadcast %get3A_4 : f32 to vector<2048x128xf32>
    %mul3A_25 = arith.mulf %mul3A, %add3A_22 : vector<2048x128xf32>
    %select_n3A = arith.select %ge3A_24, %add3A_22, %mul3A_25 : vector<2048x128xi1>, vector<2048x128xf32>
    %convert_element_type3A_26 = arith.truncf %select_n3A : vector<2048x128xf32> to vector<2048x128xbf16>
    %get3A_27 = arith.constant 0 : index
    %get3A_28 = arith.constant 0 : index
    %get3A_29 = arith.constant 0 : index
    %get3A_30 = vector.load %arg8[%get3A_27, %get3A_28, %get3A_29] : memref<1x64x128xbf16, #tpu.memory_space<vmem>>, vector<1x64x128xbf16>
    %get3A_31 = vector.shape_cast %get3A_30 : vector<1x64x128xbf16> to vector<64x128xbf16>
    %dot_general3A_32 = arith.constant dense<0.000000e+00> : vector<2048x64xf32>
    %dot_general3A_33 = tpu.matmul %convert_element_type3A_26, %get3A_31, %dot_general3A_32 {dimension_numbers = #tpu.dot_dimension_numbers<[1], [1], [0], [0], [0, 0, 1, 0], [], []>, transpose_lhs_hint = false} : vector<2048x128xbf16>, vector<64x128xbf16>, vector<2048x64xf32> -> vector<2048x64xf32>
    %get3A_34 = arith.constant 0 : index
    %get3A_35 = arith.constant 0 : index
    %get3A_36 = arith.constant 0 : index
    %get3A_37 = vector.load %arg9[%get3A_34, %get3A_35, %get3A_36] : memref<1x1x64xf32, #tpu.memory_space<vmem>>, vector<1x1x64xf32>
    %get3A_38 = vector.shape_cast %get3A_37 : vector<1x1x64xf32> to vector<1x64xf32>
    %add3A_39 = vector.broadcast %get3A_38 : vector<1x64xf32> to vector<2048x64xf32>
    %add3A_40 = arith.addf %dot_general3A_33, %add3A_39 : vector<2048x64xf32>
    %ge3A_41 = arith.constant 0.000000e+00 : f32
    %ge3A_42 = vector.broadcast %ge3A_41 : f32 to vector<2048x64xf32>
    %ge3A_43 = arith.cmpf oge, %add3A_40, %ge3A_42 : vector<2048x64xf32>
    %mul3A_44 = vector.broadcast %get3A_6 : f32 to vector<2048x64xf32>
    %mul3A_45 = arith.mulf %mul3A_44, %add3A_40 : vector<2048x64xf32>
    %select_n3A_46 = arith.select %ge3A_43, %add3A_40, %mul3A_45 : vector<2048x64xi1>, vector<2048x64xf32>
    %convert_element_type3A_47 = arith.truncf %select_n3A_46 : vector<2048x64xf32> to vector<2048x64xbf16>
    %get3A_48 = arith.constant 0 : index
    %get3A_49 = arith.constant 0 : index
    %get3A_50 = arith.constant 0 : index
    %get3A_51 = vector.load %arg10[%get3A_48, %get3A_49, %get3A_50] : memref<1x256x64xbf16, #tpu.memory_space<vmem>>, vector<1x256x64xbf16>
    %get3A_52 = vector.shape_cast %get3A_51 : vector<1x256x64xbf16> to vector<256x64xbf16>
    %dot_general3A_53 = arith.constant dense<0.000000e+00> : vector<2048x256xf32>
    %dot_general3A_54 = tpu.matmul %convert_element_type3A_47, %get3A_52, %dot_general3A_53 {dimension_numbers = #tpu.dot_dimension_numbers<[1], [1], [0], [0], [0, 0, 1, 0], [], []>, transpose_lhs_hint = false} : vector<2048x64xbf16>, vector<256x64xbf16>, vector<2048x256xf32> -> vector<2048x256xf32>
    %get3A_55 = arith.constant 0 : index
    %get3A_56 = arith.constant 0 : index
    %get3A_57 = arith.constant 0 : index
    %get3A_58 = vector.load %arg11[%get3A_55, %get3A_56, %get3A_57] : memref<1x1x256xf32, #tpu.memory_space<vmem>>, vector<1x1x256xf32>
    %get3A_59 = vector.shape_cast %get3A_58 : vector<1x1x256xf32> to vector<1x256xf32>
    %add3A_60 = vector.broadcast %get3A_59 : vector<1x256xf32> to vector<2048x256xf32>
    %add3A_61 = arith.addf %dot_general3A_54, %add3A_60 : vector<2048x256xf32>
    %iota3A = tpu.iota {dimensions = array<i32: 1>} : vector<2048x256xi32>
    %get3A_62 = arith.index_cast %get3A_0 : i32 to index
    %get3A_63 = memref.load %arg2[%get3A_62] : memref<6xi32, #tpu.memory_space<smem>>
    %lt3A = vector.broadcast %get3A_63 : i32 to vector<2048x256xi32>
    %lt3A_64 = arith.cmpi slt, %iota3A, %lt3A : vector<2048x256xi32>
    %convert_element_type3A_65 = arith.extui %lt3A_64 : vector<2048x256xi1> to vector<2048x256xi32>
    %convert_element_type3A_66 = arith.sitofp %convert_element_type3A_65 : vector<2048x256xi32> to vector<2048x256xf32>
    %mul3A_67 = arith.mulf %add3A_61, %convert_element_type3A_66 : vector<2048x256xf32>
    %reduce_sum3A = arith.constant dense<0.000000e+00> : vector<2048xf32>
    %reduce_sum3A_68 = vector.multi_reduction <add>, %mul3A_67, %reduce_sum3A [1] : vector<2048x256xf32> to vector<2048xf32>
    %broadcast_in_dim3A = vector.shape_cast %reduce_sum3A_68 : vector<2048xf32> to vector<2048x1xf32>
    %div3A = vector.broadcast %convert_element_type3A : f32 to vector<2048x1xf32>
    %div3A_69 = arith.divf %broadcast_in_dim3A, %div3A : vector<2048x1xf32>
    %sub3A = vector.broadcast %div3A_69 : vector<2048x1xf32> to vector<2048x256xf32>
    %sub3A_70 = arith.subf %add3A_61, %sub3A : vector<2048x256xf32>
    %mul3A_71 = arith.mulf %sub3A_70, %convert_element_type3A_66 : vector<2048x256xf32>
    %mul3A_72 = arith.mulf %mul3A_71, %mul3A_71 : vector<2048x256xf32>
    %reduce_sum3A_73 = arith.constant dense<0.000000e+00> : vector<2048xf32>
    %reduce_sum3A_74 = vector.multi_reduction <add>, %mul3A_72, %reduce_sum3A_73 [1] : vector<2048x256xf32> to vector<2048xf32>
    %broadcast_in_dim3A_75 = vector.shape_cast %reduce_sum3A_74 : vector<2048xf32> to vector<2048x1xf32>
    %div3A_76 = vector.broadcast %convert_element_type3A : f32 to vector<2048x1xf32>
    %div3A_77 = arith.divf %broadcast_in_dim3A_75, %div3A_76 : vector<2048x1xf32>
    %add3A_78 = arith.constant 9.99999974E-6 : f32
    %add3A_79 = vector.broadcast %add3A_78 : f32 to vector<2048x1xf32>
    %add3A_80 = arith.addf %div3A_77, %add3A_79 : vector<2048x1xf32>
    %rsqrt3A = math.rsqrt %add3A_80 : vector<2048x1xf32>
    %get3A_81 = arith.constant 0 : index
    %get3A_82 = arith.constant 0 : index
    %get3A_83 = arith.constant 0 : index
    %get3A_84 = vector.load %arg12[%get3A_81, %get3A_82, %get3A_83] : memref<1x1x256xf32, #tpu.memory_space<vmem>>, vector<1x1x256xf32>
    %get3A_85 = vector.shape_cast %get3A_84 : vector<1x1x256xf32> to vector<1x256xf32>
    %mul3A_86 = vector.broadcast %rsqrt3A : vector<2048x1xf32> to vector<2048x256xf32>
    %mul3A_87 = vector.broadcast %get3A_85 : vector<1x256xf32> to vector<2048x256xf32>
    %mul3A_88 = arith.mulf %mul3A_86, %mul3A_87 : vector<2048x256xf32>
    %mul3A_89 = arith.mulf %mul3A_71, %mul3A_88 : vector<2048x256xf32>
    %get3A_90 = arith.constant 0 : index
    %get3A_91 = arith.constant 0 : index
    %get3A_92 = arith.constant 0 : index
    %get3A_93 = vector.load %arg13[%get3A_90, %get3A_91, %get3A_92] : memref<1x1x256xf32, #tpu.memory_space<vmem>>, vector<1x1x256xf32>
    %get3A_94 = vector.shape_cast %get3A_93 : vector<1x1x256xf32> to vector<1x256xf32>
    %add3A_95 = vector.broadcast %get3A_94 : vector<1x256xf32> to vector<2048x256xf32>
    %add3A_96 = arith.addf %mul3A_89, %add3A_95 : vector<2048x256xf32>
    %swap3A = arith.constant 0 : index
    %swap3A_97 = arith.constant 0 : index
    %swap3A_98 = vector.load %arg14[%swap3A, %swap3A_97] : memref<2048x256xf32, #tpu.memory_space<vmem>>, vector<2048x256xf32>
    tpu.vector_store %arg14[%swap3A, %swap3A_97], %add3A_96 {strides = array<i32>} : memref<2048x256xf32, #tpu.memory_space<vmem>>, vector<2048x256xf32>,
    return
  }
  func.func @transform_0(%arg0: i32, %arg1: memref<13xi32, #tpu.memory_space<smem>>, %arg2: memref<6xi32, #tpu.memory_space<smem>>, %arg3: memref<6xf32, #tpu.memory_space<smem>>, %arg4: memref<6xf32, #tpu.memory_space<smem>>) -> (i32, i32) {
    %c0_i32 = arith.constant 0 : i32
    %c0_i32_0 = arith.constant 0 : i32
    return %arg0, %c0_i32 : i32, i32
  }
  func.func @transform_1(%arg0: i32, %arg1: memref<13xi32, #tpu.memory_space<smem>>, %arg2: memref<6xi32, #tpu.memory_space<smem>>, %arg3: memref<6xf32, #tpu.memory_space<smem>>, %arg4: memref<6xf32, #tpu.memory_space<smem>>) -> (i32, i32, i32) {
    %get3A = arith.index_cast %arg0 : i32 to index
    %get3A_0 = memref.load %arg1[%get3A] : memref<13xi32, #tpu.memory_space<smem>>
    %c0_i32 = arith.constant 0 : i32
    %c0_i32_1 = arith.constant 0 : i32
    %c0_i32_2 = arith.constant 0 : i32
    return %get3A_0, %c0_i32, %c0_i32_1 : i32, i32, i32
  }
  func.func @transform_2(%arg0: i32, %arg1: memref<13xi32, #tpu.memory_space<smem>>, %arg2: memref<6xi32, #tpu.memory_space<smem>>, %arg3: memref<6xf32, #tpu.memory_space<smem>>, %arg4: memref<6xf32, #tpu.memory_space<smem>>) -> (i32, i32, i32) {
    %get3A = arith.index_cast %arg0 : i32 to index
    %get3A_0 = memref.load %arg1[%get3A] : memref<13xi32, #tpu.memory_space<smem>>
    %c0_i32 = arith.constant 0 : i32
    %c0_i32_1 = arith.constant 0 : i32
    %c0_i32_2 = arith.constant 0 : i32
    return %get3A_0, %c0_i32, %c0_i32_1 : i32, i32, i32
  }
  func.func @transform_3(%arg0: i32, %arg1: memref<13xi32, #tpu.memory_space<smem>>, %arg2: memref<6xi32, #tpu.memory_space<smem>>, %arg3: memref<6xf32, #tpu.memory_space<smem>>, %arg4: memref<6xf32, #tpu.memory_space<smem>>) -> (i32, i32, i32) {
    %get3A = arith.index_cast %arg0 : i32 to index
    %get3A_0 = memref.load %arg1[%get3A] : memref<13xi32, #tpu.memory_space<smem>>
    %c0_i32 = arith.constant 0 : i32
    %c0_i32_1 = arith.constant 0 : i32
    %c0_i32_2 = arith.constant 0 : i32
    return %get3A_0, %c0_i32, %c0_i32_1 : i32, i32, i32
  }
  func.func @transform_4(%arg0: i32, %arg1: memref<13xi32, #tpu.memory_space<smem>>, %arg2: memref<6xi32, #tpu.memory_space<smem>>, %arg3: memref<6xf32, #tpu.memory_space<smem>>, %arg4: memref<6xf32, #tpu.memory_space<smem>>) -> (i32, i32, i32) {
    %get3A = arith.index_cast %arg0 : i32 to index
    %get3A_0 = memref.load %arg1[%get3A] : memref<13xi32, #tpu.memory_space<smem>>
    %c0_i32 = arith.constant 0 : i32
    %c0_i32_1 = arith.constant 0 : i32
    %c0_i32_2 = arith.constant 0 : i32
    return %get3A_0, %c0_i32, %c0_i32_1 : i32, i32, i32
  }
  func.func @transform_5(%arg0: i32, %arg1: memref<13xi32, #tpu.memory_space<smem>>, %arg2: memref<6xi32, #tpu.memory_space<smem>>, %arg3: memref<6xf32, #tpu.memory_space<smem>>, %arg4: memref<6xf32, #tpu.memory_space<smem>>) -> (i32, i32, i32) {
    %get3A = arith.index_cast %arg0 : i32 to index
    %get3A_0 = memref.load %arg1[%get3A] : memref<13xi32, #tpu.memory_space<smem>>
    %c0_i32 = arith.constant 0 : i32
    %c0_i32_1 = arith.constant 0 : i32
    %c0_i32_2 = arith.constant 0 : i32
    return %get3A_0, %c0_i32, %c0_i32_1 : i32, i32, i32
  }
  func.func @transform_6(%arg0: i32, %arg1: memref<13xi32, #tpu.memory_space<smem>>, %arg2: memref<6xi32, #tpu.memory_space<smem>>, %arg3: memref<6xf32, #tpu.memory_space<smem>>, %arg4: memref<6xf32, #tpu.memory_space<smem>>) -> (i32, i32, i32) {
    %get3A = arith.index_cast %arg0 : i32 to index
    %get3A_0 = memref.load %arg1[%get3A] : memref<13xi32, #tpu.memory_space<smem>>
    %c0_i32 = arith.constant 0 : i32
    %c0_i32_1 = arith.constant 0 : i32
    %c0_i32_2 = arith.constant 0 : i32
    return %get3A_0, %c0_i32, %c0_i32_1 : i32, i32, i32
  }
  func.func @transform_7(%arg0: i32, %arg1: memref<13xi32, #tpu.memory_space<smem>>, %arg2: memref<6xi32, #tpu.memory_space<smem>>, %arg3: memref<6xf32, #tpu.memory_space<smem>>, %arg4: memref<6xf32, #tpu.memory_space<smem>>) -> (i32, i32, i32) {
    %get3A = arith.index_cast %arg0 : i32 to index
    %get3A_0 = memref.load %arg1[%get3A] : memref<13xi32, #tpu.memory_space<smem>>
    %c0_i32 = arith.constant 0 : i32
    %c0_i32_1 = arith.constant 0 : i32
    %c0_i32_2 = arith.constant 0 : i32
    return %get3A_0, %c0_i32, %c0_i32_1 : i32, i32, i32
  }
  func.func @transform_8(%arg0: i32, %arg1: memref<13xi32, #tpu.memory_space<smem>>, %arg2: memref<6xi32, #tpu.memory_space<smem>>, %arg3: memref<6xf32, #tpu.memory_space<smem>>, %arg4: memref<6xf32, #tpu.memory_space<smem>>) -> (i32, i32, i32) {
    %get3A = arith.index_cast %arg0 : i32 to index
    %get3A_0 = memref.load %arg1[%get3A] : memref<13xi32, #tpu.memory_space<smem>>
    %c0_i32 = arith.constant 0 : i32
    %c0_i32_1 = arith.constant 0 : i32
    %c0_i32_2 = arith.constant 0 : i32
    return %get3A_0, %c0_i32, %c0_i32_1 : i32, i32, i32
  }
  func.func @transform_9(%arg0: i32, %arg1: memref<13xi32, #tpu.memory_space<smem>>, %arg2: memref<6xi32, #tpu.memory_space<smem>>, %arg3: memref<6xf32, #tpu.memory_space<smem>>, %arg4: memref<6xf32, #tpu.memory_space<smem>>) -> (i32, i32) {
    %c0_i32 = arith.constant 0 : i32
    %c0_i32_0 = arith.constant 0 : i32
    return %arg0, %c0_i32 : i32, i32
  }
}

</mosaic_0001>

<sc_bundles>
// kernel: kernel.6.cloned.1.call-start
scs
__scs_entry_jumppad:
0x0: {  	(pc) =	sbr.rel $0x88, $3  }
0x1: {  	(tag) =	ssettag $0x0;
	lr =	simm.s32 $0x1  }
0x2: {  	[smem:$0x3F61] =	sst lr;
	_ =	strace $0xD0000000  }
0x3: {  	_ = 	snop  }
0x4: {  	_ = 	snop  }
0x5: {  	_ = 	snop  }
0x6: {  	_ = 	snop  }
0x7: {  	_ = 	snop  }
__scs_overlays_trampoline_lowered:
0x8: {  	[smem:$0x3F70] =	sst s0  }
0x9: {  	[smem:$0x3F71] =	sst s1  }
0xa: {  	[smem:$0x3F72] =	sst s2  }
0xb: {  	[smem:$0x3F73] =	sst s3  }
0xc: {  	[smem:$0x3F74] =	sst s4  }
0xd: {  	[smem:$0x3F75] =	sst s5  }
0xe: {  	[smem:$0x3F76] =	sst s6  }
0xf: {  	[smem:$0x3F77] =	sst s7  }
0x10: {  	[smem:$0x3F78] =	sst s8  }
0x11: {  	[smem:$0x3F79] =	sst s9;
	s0 =	simm.s32 @!p0 $0x0  }
0x12: {  	s1 =	sld [smem:$0x3F5F];
	s0 =	simm.s32 @p0 $0x1  }
0x13: {  	[smem:$0x3F7A] =	sst s0;
	s0 =	simm.s32 @!p1 $0x0  }
0x14: {  	s2 =	sld [smem:$0x3F5E];
	s0 =	simm.s32 @p1 $0x1  }
0x15: {  	[smem:$0x3F7B] =	sst s0;
	s0 =	simm.s32 @!p2 $0x0  }
0x16: {  	s3 =	sld [smem:$0x3FDB];
	s0 =	simm.s32 @p2 $0x1  }
0x17: {  	s4 =	simm.s32 $0x1BF5;
	[smem:$0x3F7D] =	sst s0  }
0x18: {  	s0 =	sld [smem:$0x3F60];
	_ =	swait.ge [sflag:s4], $0x0  }
0x19: {  	s7 =	sld [smem:$0x3F61]  }
0x1a: {  	s8 =	sadd.s32 $0xFFFFE003, lr  }
0x1b: {  	s9 =	sadd.s32 $0xFFFFFEF7, lr;
	s5 =	simm.s32 $0xFFFFFFFF;
	p2 =	slt.u32 s8, $0xFFFFF086  }
0x1c: {  	p1 =	slt.u32 s9, $0xF7A;
	s5 =	simm.s32 @!p2 $0x0  }
0x1d: {  	s5 =	simm.s32 @p1 $0x1;
	p0 =	seq.s32 s7, s2  }
0x1e: {  	s7 =	smul.u32 @!p0 $0xF7A, s2;
	p2 =	seq.s32 @!p0 s5, $0x0  }
0x1f: {  	s9 =	smul.u32 $0xF7A, s1;
	s8 =	simm.s32 @!p0 $0x1BF5;
	p2 =	por !p2, p0  }
0x20: {  	[sflag:s8] =	ssyncset.s32 @!p0 $0xFFFFF086;
	s6 =	sadd.s32 @!p0 s3, s7;
	s7 =	simm.s32 @!p0 $0x108  }
0x21: {  	s3 =	sadd.s32 s3, s9;
	s6 =	sadd.s32 @!p0 $0x88, s6;
	s7 =	simm.s32 @p2 $0x1082  }
0x22: {  	[simem:s7], [sflag:s8] =	dma.local @!p0 [hbm:s6], $0xF7A  }
0x23: {  	s9 =	sor.u32 $0xD0000000, s2;
	s6 =	simm.s32 $0x108;
	_ =	swait.ge @!p0 [sflag:s8], $0x0  }
0x24: {  	s3 =	sadd.s32 $0x88, s3;
	s6 =	simm.s32 @!p1 $0x1082;
	[sflag:s4] =	ssyncset.s32 $0xFFFFF086  }
0x25: {  	[simem:s6], [sflag:s4] =	dma.local [hbm:s3], $0xF7A  }
0x26: {  	[smem:$0x3F61] =	sst s1;
	(tag) =	ssettag s2;
	_ =	strace s9  }
0x27: {  	s1 =	sld [smem:$0x3F71]  }
0x28: {  	s2 =	sld [smem:$0x3F72]  }
0x29: {  	s4 =	sld [smem:$0x3F74]  }
0x2a: {  	p0 =	seq.s32 s5, $0x0;
	s5 =	sld [smem:$0x3F75]  }
0x2b: {  	s6 =	sld [smem:$0x3F76]  }
0x2c: {  	s7 =	sld [smem:$0x3F77]  }
0x2d: {  	s3 =	simm.s32 $0x108;
	s8 =	sld [smem:$0x3F78]  }
0x2e: {  	s3 =	simm.s32 @!p0 $0x1082;
	s9 =	sld [smem:$0x3F79]  }
0x2f: {  	lr =	sadd.s32 s0, s3;
	s0 =	sld [smem:$0x3F70]  }
0x30: {  	s3 =	sld [smem:$0x3F73]  }
0x31: {  	[smem:$0x3F7C] =	sst s10  }
0x32: {  	s10 =	sld [smem:$0x3F7A];
	_ =	sdelay $0x3  }
0x33: {  	p0 =	seq.s32 s10, $0x1;
	s10 =	sld [smem:$0x3F7C];
	_ =	sdelay $0x3  }
0x34: {  	[smem:$0x3F7C] =	sst s10  }
0x35: {  	s10 =	sld [smem:$0x3F7B];
	_ =	sdelay $0x3  }
0x36: {  	p1 =	seq.s32 s10, $0x1;
	s10 =	sld [smem:$0x3F7C];
	_ =	sdelay $0x3  }
0x37: {  	[smem:$0x3F7C] =	sst s10  }
0x38: {  	s10 =	sld [smem:$0x3F7D]  }
0x39: {  	_ = 	snop;
	(pc) =	sbr.ind lr, $3  }
0x3a: {  	_ = 	snop  }
0x3b: {  	_ = 	snop  }
0x3c: {  	p2 =	seq.s32 s10, $0x1;
	s10 =	sld [smem:$0x3F7C]  }
0x3d: {  	_ =	shalt  }
0x3e: {  	_ =	shalt  }
0x3f: {  	_ =	shalt  }
0x40: {  	_ =	shalt  }
0x41: {  	_ =	shalt  }
0x42: {  	_ =	shalt  }
0x43: {  	_ =	shalt  }
0x44: {  	_ =	shalt  }
0x45: {  	_ =	shalt  }
0x46: {  	_ =	shalt  }
0x47: {  	_ =	shalt  }
0x48: {  	_ =	shalt  }
0x49: {  	_ =	shalt  }
0x4a: {  	_ =	shalt  }
0x4b: {  	_ =	shalt  }
0x4c: {  	_ =	shalt  }
0x4d: {  	_ =	shalt  }
0x4e: {  	_ =	shalt  }
0x4f: {  	_ =	shalt  }
0x50: {  	_ =	shalt  }
0x51: {  	_ =	shalt  }
0x52: {  	_ =	shalt  }
0x53: {  	_ =	shalt  }
0x54: {  	_ =	shalt  }
0x55: {  	_ =	shalt  }
0x56: {  	_ =	shalt  }
0x57: {  	_ =	shalt  }
0x58: {  	_ =	shalt  }
0x59: {  	_ =	shalt  }
0x5a: {  	_ =	shalt  }
0x5b: {  	_ =	shalt  }
0x5c: {  	_ =	shalt  }
0x5d: {  	_ =	shalt  }
0x5e: {  	_ =	shalt  }
0x5f: {  	_ =	shalt  }
0x60: {  	_ =	shalt  }
0x61: {  	_ =	shalt  }
0x62: {  	_ =	shalt  }
0x63: {  	_ =	shalt  }
0x64: {  	_ =	shalt  }
0x65: {  	_ =	shalt  }
0x66: {  	_ =	shalt  }
0x67: {  	_ =	shalt  }
0x68: {  	_ =	shalt  }
0x69: {  	_ =	shalt  }
0x6a: {  	_ =	shalt  }
0x6b: {  	_ =	shalt  }
0x6c: {  	_ =	shalt  }
0x6d: {  	_ =	shalt  }
0x6e: {  	_ =	shalt  }
0x6f: {  	_ =	shalt  }
0x70: {  	_ =	shalt  }
0x71: {  	_ =	shalt  }
0x72: {  	_ =	shalt  }
0x73: {  	_ =	shalt  }
0x74: {  	_ =	shalt  }
0x75: {  	_ =	shalt  }
0x76: {  	_ =	shalt  }
0x77: {  	_ =	shalt  }
0x78: {  	_ =	shalt  }
0x79: {  	_ =	shalt  }
0x7a: {  	_ =	shalt  }
0x7b: {  	_ =	shalt  }
0x7c: {  	_ =	shalt  }
0x7d: {  	_ =	shalt  }
0x7e: {  	_ =	shalt  }
0x7f: {  	_ =	shalt  }
0x80: {  	_ =	shalt  }
0x81: {  	_ =	shalt  }
0x82: {  	_ =	shalt  }
0x83: {  	_ =	shalt  }
0x84: {  	_ =	shalt  }
0x85: {  	_ =	shalt  }
0x86: {  	_ =	shalt  }
0x87: {  	_ =	shalt  }
.Lfunc_end0:
.L_simem_size_0:
called_computation_lowered:
.L_overlay_start_0:
0x88: {  	s2 =	sld [smem:$0x3FD9]  }
0x89: {  	s3 =	sld [smem:$0x3FFE];
	_ =	sdelay $0x1  }
0x8a: {  	s1 =	srdreg.scid  }
0x8b: {  	s0 =	sand.u32 $0x1, s1  }
0x8c: {  	s17 =	sshll.u32 s0, $0xA;
	s2 =	sadd.s32 s3, s2  }
0x8d: {  	s2 =	sadd.s32 s2, s17  }
0x8e: {  	[smem:$0x3F88] =	sst s2  }
0x8f: {  	_ = 	snop  }
0x90: {  	s2 =	sld [smem:$0x3FD0];
	(tm) =	ssettm $0x1  }
0x91: {  	s18 =	sld [smem:$0x3FFB];
	_ =	sdelay $0x3  }
0x92: {  	_ =	strace s18  }
0x93: {  	s3 =	sld [smem:$0x3FFC];
	_ =	sdelay $0x3  }
0x94: {  	_ =	strace s3  }
0x95: {  	s3 =	sld [smem:$0x3FFD];
	_ =	sdelay $0x3  }
0x96: {  	_ =	strace s3  }
0x97: {  	_ =	strace $0x8FFFFFFF  }
0x98: {  	s19 =	sld [smem:$0x3FDB];
	_ =	sdelay $0x1  }
0x99: {  	s4 =	simm.s32 $_scs_section_size  }
0x9a: {  	s5 =	simm.s32 $_size__tile_overlayer_lowered;
	s6 =	simm.s32 $_tile_overlayer_lowered  }
0x9b: {  	s22 =	simm.s32 $0x1BFF;
	s21 =	sshll.u32 s6, $0x1;
	s3 =	sadd.s32 s4, s19  }
0x9c: {  	s7 =	simm.s32 $0x0;
	s20 =	sshll.u32 s5, $0x1;
	s5 =	sadd.s32 s21, s3  }
0x9d: {  	[timem:s7], [sflag:s22] =	dma.local [hbm:s5], s20  }
0x9e: {  	_ =	swait.ge [sflag:s22], s20  }
0x9f: {  	s4 =	ssub.s32 $0x0, s20;
	[sflag:s22] =	ssyncset.done $0x0  }
0xa0: {  	[sflag:s22] =	ssyncadd.s32 s4;
	_ =	sdelay $0x1  }
0xa1: {  	s23 =	simm.s32 $0x1B8B  }
0xa2: {  	_ =	swait.ge [sflag:s23], $0x1  }
0xa3: {  	[sflag:s23] =	ssyncset.done $0x0  }
0xa4: {  	s25 =	simm.s32 $0x1B8E;
	s24 =	sld [smem:$0x3FFE];
	[sflag:s23] =	ssyncadd.s32 $0xFFFFFFFF  }
0xa5: {  	s26 =	simm.s32 $execute0_lowered;
	[smem:$0x3FD2] =	sst s25  }
0xa6: {  	s5 =	sshll.u32 s26, $0x1;
	_ =	strace $0x80000046;
	[dreg:$0x1] =	wrdreg $0xFFFFFFFF  }
0xa7: {  	s28 =	simm.s32 $_size_execute0_lowered;
	s3 =	sadd.s32 s3, s5;
	[dreg:$0x0] =	wrdreg $0x0  }
0xa8: {  	s5 =	sshll.u32 s28, $0x1;
	[dreg:$0x2] =	wrdreg s3  }
0xa9: {  	[dreg:$0x3] =	wrdreg s5  }
0xaa: {  	[dreg:$0x4] =	wrdreg $0xC0  }
0xab: {  	_ =	task [dreg:s7], $0x5FFFF  }
0xac: {  	[dreg:$0x1] =	wrdreg $0xFFFFFFFF  }
0xad: {  	[dreg:$0x0] =	wrdreg $0x60  }
0xae: {  	[dreg:$0x2] =	wrdreg s24  }
0xaf: {  	[dreg:$0x3] =	wrdreg s2  }
0xb0: {  	[dreg:$0x4] =	wrdreg $0x9  }
0xb1: {  	_ =	task.clear_ibuf [dreg:s7], $0x5FFFF;
	_ =	strace $0x90000046  }
0xb2: {  	s29 =	simm.s32 $0x9;
	_ =	strace $0x80000048  }
0xb3: {  	_ =	swait.ge [sflag:s29], $0x1  }
0xb4: {  	[sflag:s29] =	ssyncadd.s32 $0xFFFFFFFF  }
0xb5: {  	_ =	strace $0x90000048  }
0xb6: {  	_ =	sfence  }
0xb7: {  	s30 =	sld [smem:$0x0];
	_ =	sdelay $0x2  }
0xb8: {  	s31 =	sshll.u32 s1, $0xD;
	s1 =	sshrl.u32 s1, $0x2  }
0xb9: {  	s3 =	sand.u32 $0x4000, s31;
	s1 =	sadd.s32 s1, s30  }
0xba: {  	s0 =	sor.u32 s3, s0;
	s1 =	sshll.u32 s1, $0x11  }
0xbb: {  	s0 =	sor.u32 s1, s0  }
0xbc: {  	s0 =	sadd.s32 $0x8F2B, s0  }
0xbd: {  	[sflag:s0] =	ssyncadd.remote.s32 $0x1  }
0xbe: {  	_ =	sfence.sel $0xFFFF  }
0xbf: {  	[dreg:$0x0] =	wrdreg $0xFFFFFFFF;
	(pc) =	sbr.abs _section_cstart, $3  }
0xc0: {  	[dreg:$0x1] =	wrdreg $0xFFFFFFFF  }
0xc1: {  	_ =	task.clear_ibuf [dreg:s7], $0x2FFFF;
	_ =	strace $0x9FFFFFFF  }
0xc2: {  	(tm) =	ssettm $0x7FFFFFFF  }
0xc3: {  	_ =	shalt  }
tec
execute0_lowered:
.L_overlay_start_1:
0x0: {  	(tag) =	ssettag $0x1  }
0x1: {  	s6 =	rddreg [dreg:$0x0]  }
0x2: {  	s2 =	rddreg [dreg:$0x1];
	s1 =	srdreg.scid  }
0x3: {  	s0 =	rddreg [dreg:$0x2];
	s13 =	sand.u32 $0x1, s1  }
0x4: {  	s3 =	simm.s32 $0x0;
	s1 =	stileid.u32;
	s4 =	sshll.u32 s13, $0x6  }
0x5: {  	[smem:$0x7FF] =	sst s3;
	s5 =	sshll.u32 s1, $0x7;
	s4 =	sadd.s32 s4, s6  }
0x6: {  	_ =	strace $0x80000047;
	s7 =	sshll.u32 s1, $0xE;
	s4 =	sadd.s32 s5, s4  }
0x7: {  	s8 =	sshll.u32 s13, $0xD;
	s5 =	simm.s32 $0x2;
	s4 =	sadd.s32 $0x46400, s4  }
0x8: {  	[tilespmem:s3], [sflag:$0x2] =	stream.linear.gather [hbm4b:s4+s3], $0x200, $0x38;
	[tilespmem:$0x4200] =	vst v63  }
0x9: {  	s7 =	sor.u32 s8, s7;
	_ =	swait.ge [sflag:s5], $0x200  }
0xa: {  	s14 =	sadd.s32 s7, s6;
	[sflag:s5] =	ssyncset.done $0x0  }
0xb: {  	s7 =	simm.s32 $0x200;
	s6 =	sadd.s32 $0x6400, s14;
	[sflag:s5] =	ssyncadd.s32 $0xFFFFFE00  }
0xc: {  	[tilespmem:s7], [sflag:$0x2] =	stream.linear.gather [hbm4b:s6+s3], $0x4000, $0x38;
	[tilespmem:$0x4200] =	vst v63  }
0xd: {  	_ =	swait.ge [sflag:s5], $0x4000  }
0xe: {  	[sflag:s5] =	ssyncset.done $0x0  }
0xf: {  	s9 =	simm.s32 $0x80;
	s8 =	simm.s32 $0x1;
	[sflag:s5] =	ssyncadd.s32 $0xFFFFC000  }
0x10: {  	[hbm4b:s2+s9] =	stream.indirect.scatter [tilespmem:s7], [sflag:$0x1], $0x80, s3, s9, $0xb8;
	[tilespmem:$0x4200] =	vst v63  }
0x11: {  	_ =	swait.ge [sflag:s8], $0x4000  }
0x12: {  	[sflag:s8] =	ssyncset.done $0x0  }
0x13: {  	s10 =	sadd.s32 $0x6C00, s14;
	[sflag:s8] =	ssyncadd.s32 $0xFFFFC000  }
0x14: {  	[tilespmem:s7], [sflag:$0x2] =	stream.linear.gather [hbm4b:s10+s3], $0x4000, $0x38;
	[tilespmem:$0x4200] =	vst v63  }
0x15: {  	_ =	swait.ge [sflag:s5], $0x4000  }
0x16: {  	[sflag:s5] =	ssyncset.done $0x0  }
0x17: {  	[sflag:s5] =	ssyncadd.s32 $0xFFFFC000  }
0x18: {  	[hbm4b:s2+s9] =	stream.indirect.scatter [tilespmem:s7], [sflag:$0x1], $0x80, s9, s9, $0xb8;
	[tilespmem:$0x4200] =	vst v63  }
0x19: {  	_ =	swait.ge [sflag:s8], $0x4000  }
0x1a: {  	[sflag:s8] =	ssyncset.done $0x0  }
0x1b: {  	s11 =	sadd.s32 $0x7400, s14;
	[sflag:s8] =	ssyncadd.s32 $0xFFFFC000  }
0x1c: {  	[tilespmem:s7], [sflag:$0x2] =	stream.linear.gather [hbm4b:s11+s3], $0x4000, $0x38;
	[tilespmem:$0x4200] =	vst v63  }
0x1d: {  	_ =	swait.ge [sflag:s5], $0x4000  }
0x1e: {  	[sflag:s5] =	ssyncset.done $0x0  }
0x1f: {  	s12 =	simm.s32 $0x100;
	s15 =	ssub.s32 $0x2, s13;
	[sflag:s5] =	ssyncadd.s32 $0xFFFFC000  }
0x20: {  	[hbm4b:s2+s9] =	stream.indirect.scatter [tilespmem:s7], [sflag:$0x1], $0x80, s12, s9, $0xb8;
	[tilespmem:$0x4200] =	vst v63  }
0x21: {  	s31 =	sshrl.u32 s15, $0x1;
	_ =	swait.ge [sflag:s8], $0x4000  }
0x22: {  	s13 =	sadd.s32 $0x7C00, s14;
	s14 =	ssub.s32 s15, s31;
	[sflag:s8] =	ssyncset.done $0x0  }
0x23: {  	s15 =	smax.u32 s14, $0x1;
	[sflag:s8] =	ssyncadd.s32 $0xFFFFC000  }
0x24: {  	[tilespmem:s7], [sflag:$0x2] =	stream.linear.gather [hbm4b:s13+s3], $0x4000, $0x38;
	[tilespmem:$0x4200] =	vst v63  }
0x25: {  	p0 =	sne.s32 s15, $0x1;
	_ =	swait.ge [sflag:s5], $0x4000  }
.Ltmp0:
0x26: {  	[sflag:s5] =	ssyncset.done $0x0;
	(pc) =	sbr.rel @!p0 .LBB2_2-.Ltmp0, $4  }
0x27: {  	s14 =	simm.s32 $0x180;
	[sflag:s5] =	ssyncadd.s32 $0xFFFFC000  }
0x28: {  	[hbm4b:s2+s9] =	stream.indirect.scatter [tilespmem:s7], [sflag:$0x1], $0x80, s14, s9, $0xb8;
	[tilespmem:$0x4200] =	vst v63  }
0x29: {  	_ =	swait.ge [sflag:s8], $0x4000  }
0x2a: {  	s15 =	sadd.s32 $0xFFFFFFFF, s15;
	[sflag:s8] =	ssyncset.done $0x0  }
.LBB2_1:
0x2b: {  	p0 =	sne.s32 s15, $0x1;
	s15 =	sadd.s32 $0xFFFFFFFF, s15;
	[sflag:s8] =	ssyncadd.s32 $0xFFFFC000  }
0x2c: {  	[tilespmem:s3], [sflag:$0x2] =	stream.linear.gather [hbm4b:s4+s3], $0x200, $0x38;
	[tilespmem:$0x4200] =	vst v63  }
0x2d: {  	_ =	swait.ge [sflag:s5], $0x200  }
0x2e: {  	[sflag:s5] =	ssyncset.done $0x0  }
0x2f: {  	[sflag:s5] =	ssyncadd.s32 $0xFFFFFE00  }
0x30: {  	[tilespmem:s7], [sflag:$0x2] =	stream.linear.gather [hbm4b:s6+s3], $0x4000, $0x38;
	[tilespmem:$0x4200] =	vst v63  }
0x31: {  	_ =	swait.ge [sflag:s5], $0x4000  }
0x32: {  	[sflag:s5] =	ssyncset.done $0x0  }
0x33: {  	[sflag:s5] =	ssyncadd.s32 $0xFFFFC000  }
0x34: {  	[hbm4b:s2+s9] =	stream.indirect.scatter [tilespmem:s7], [sflag:$0x1], $0x80, s3, s9, $0xb8;
	[tilespmem:$0x4200] =	vst v63  }
0x35: {  	_ =	swait.ge [sflag:s8], $0x4000  }
0x36: {  	[sflag:s8] =	ssyncset.done $0x0  }
0x37: {  	[sflag:s8] =	ssyncadd.s32 $0xFFFFC000  }
0x38: {  	[tilespmem:s7], [sflag:$0x2] =	stream.linear.gather [hbm4b:s10+s3], $0x4000, $0x38;
	[tilespmem:$0x4200] =	vst v63  }
0x39: {  	_ =	swait.ge [sflag:s5], $0x4000  }
0x3a: {  	[sflag:s5] =	ssyncset.done $0x0  }
0x3b: {  	[sflag:s5] =	ssyncadd.s32 $0xFFFFC000  }
0x3c: {  	[hbm4b:s2+s9] =	stream.indirect.scatter [tilespmem:s7], [sflag:$0x1], $0x80, s9, s9, $0xb8;
	[tilespmem:$0x4200] =	vst v63  }
0x3d: {  	_ =	swait.ge [sflag:s8], $0x4000  }
0x3e: {  	[sflag:s8] =	ssyncset.done $0x0  }
0x3f: {  	[sflag:s8] =	ssyncadd.s32 $0xFFFFC000  }
0x40: {  	[tilespmem:s7], [sflag:$0x2] =	stream.linear.gather [hbm4b:s11+s3], $0x4000, $0x38;
	[tilespmem:$0x4200] =	vst v63  }
0x41: {  	_ =	swait.ge [sflag:s5], $0x4000  }
0x42: {  	[sflag:s5] =	ssyncset.done $0x0  }
0x43: {  	[sflag:s5] =	ssyncadd.s32 $0xFFFFC000  }
0x44: {  	[hbm4b:s2+s9] =	stream.indirect.scatter [tilespmem:s7], [sflag:$0x1], $0x80, s12, s9, $0xb8;
	[tilespmem:$0x4200] =	vst v63  }
0x45: {  	_ =	swait.ge [sflag:s8], $0x4000  }
0x46: {  	[sflag:s8] =	ssyncset.done $0x0  }
0x47: {  	[sflag:s8] =	ssyncadd.s32 $0xFFFFC000  }
0x48: {  	[tilespmem:s7], [sflag:$0x2] =	stream.linear.gather [hbm4b:s13+s3], $0x4000, $0x38;
	[tilespmem:$0x4200] =	vst v63  }
0x49: {  	_ =	swait.ge [sflag:s5], $0x4000  }
.Ltmp1:
0x4a: {  	[sflag:s5] =	ssyncset.done $0x0;
	(pc) =	sbr.rel @p0 .LBB2_1-.Ltmp1, $4  }
0x4b: {  	[sflag:s5] =	ssyncadd.s32 $0xFFFFC000  }
0x4c: {  	[hbm4b:s2+s9] =	stream.indirect.scatter [tilespmem:s7], [sflag:$0x1], $0x80, s14, s9, $0xb8;
	[tilespmem:$0x4200] =	vst v63  }
0x4d: {  	_ =	swait.ge [sflag:s8], $0x4000  }
0x4e: {  	[sflag:s8] =	ssyncset.done $0x0  }
.LBB2_2:
0x4f: {  	[sflag:s8] =	ssyncadd.s32 $0xFFFFC000  }
0x50: {  	_ =	sfence.sel $0x180000  }
0x51: {  	[bflag:$0x0] =	sbarrier.arrive $0xFFFF  }
0x52: {  	p0 =	sne.s32 s1, $0x0;
	_ =	strace $0x90000047  }
0x53: {  	s0 =	sadd.s32 @!p0 $0x100000, s0;
	[bflag:$0x2] =	sbarrier.arrive $0xFFFF  }
0x54: {  	[sflag:s0] =	ssyncadd.tile.s32 @!p0 $0x1;
	_ =	shalt  }
.Lfunc_end2:
_tile_overlayer_lowered:
.L_overlay_start_2:
0x55: {  	(tag) =	ssettag $0x2  }
0x56: {  	s0 =	rddreg [dreg:$0x0];
	s2 =	stileid.u32  }
0x57: {  	s1 =	rddreg [dreg:$0x1];
	p0 =	sne.s32 s2, $0x0  }
0x58: {  	s3 =	rddreg [dreg:$0x2];
	[bflag:$0x3] =	sbarrier.arrive $0xFFFF;
	s2 =	simm.s32 @!p0 $0x1C02  }
0x59: {  	[timem:s3], [sflag:s2] =	dma.local @!p0 [hbm:s0], s1  }
0x5a: {  	s0 =	simm.s32 @!p0 $0x2  }
0x5b: {  	_ =	swait.ge @!p0 [sflag:s0], s1  }
0x5c: {  	s1 =	ssub.s32 @!p0 $0x0, s1;
	[sflag:s0] =	ssyncset.done @!p0 $0x0  }
0x5d: {  	[sflag:s0] =	ssyncadd.s32 @!p0 s1  }
0x5e: {  	[bflag:$0x3] =	sbarrier.arrive $0xFFFF  }
0x5f: {  	_ =	shalt  }

// kernel: kernel.9.cloned.1.call-start
scs
__scs_entry_jumppad:
0x0: {  	(pc) =	sbr.rel $0x88, $3  }
0x1: {  	(tag) =	ssettag $0x0;
	lr =	simm.s32 $0x1  }
0x2: {  	[smem:$0x3F61] =	sst lr;
	_ =	strace $0xD0000000  }
0x3: {  	_ = 	snop  }
0x4: {  	_ = 	snop  }
0x5: {  	_ = 	snop  }
0x6: {  	_ = 	snop  }
0x7: {  	_ = 	snop  }
__scs_overlays_trampoline_lowered:
0x8: {  	[smem:$0x3F70] =	sst s0  }
0x9: {  	[smem:$0x3F71] =	sst s1  }
0xa: {  	[smem:$0x3F72] =	sst s2  }
0xb: {  	[smem:$0x3F73] =	sst s3  }
0xc: {  	[smem:$0x3F74] =	sst s4  }
0xd: {  	[smem:$0x3F75] =	sst s5  }
0xe: {  	[smem:$0x3F76] =	sst s6  }
0xf: {  	[smem:$0x3F77] =	sst s7  }
0x10: {  	[smem:$0x3F78] =	sst s8  }
0x11: {  	[smem:$0x3F79] =	sst s9;
	s0 =	simm.s32 @!p0 $0x0  }
0x12: {  	s1 =	sld [smem:$0x3F5F];
	s0 =	simm.s32 @p0 $0x1  }
0x13: {  	[smem:$0x3F7A] =	sst s0;
	s0 =	simm.s32 @!p1 $0x0  }
0x14: {  	s2 =	sld [smem:$0x3F5E];
	s0 =	simm.s32 @p1 $0x1  }
0x15: {  	[smem:$0x3F7B] =	sst s0;
	s0 =	simm.s32 @!p2 $0x0  }
0x16: {  	s3 =	sld [smem:$0x3FDB];
	s0 =	simm.s32 @p2 $0x1  }
0x17: {  	s4 =	simm.s32 $0x1BF5;
	[smem:$0x3F7D] =	sst s0  }
0x18: {  	s0 =	sld [smem:$0x3F60];
	_ =	swait.ge [sflag:s4], $0x0  }
0x19: {  	s7 =	sld [smem:$0x3F61]  }
0x1a: {  	s8 =	sadd.s32 $0xFFFFE003, lr  }
0x1b: {  	s9 =	sadd.s32 $0xFFFFFEF7, lr;
	s5 =	simm.s32 $0xFFFFFFFF;
	p2 =	slt.u32 s8, $0xFFFFF086  }
0x1c: {  	p1 =	slt.u32 s9, $0xF7A;
	s5 =	simm.s32 @!p2 $0x0  }
0x1d: {  	s5 =	simm.s32 @p1 $0x1;
	p0 =	seq.s32 s7, s2  }
0x1e: {  	s7 =	smul.u32 @!p0 $0xF7A, s2;
	p2 =	seq.s32 @!p0 s5, $0x0  }
0x1f: {  	s9 =	smul.u32 $0xF7A, s1;
	s8 =	simm.s32 @!p0 $0x1BF5;
	p2 =	por !p2, p0  }
0x20: {  	[sflag:s8] =	ssyncset.s32 @!p0 $0xFFFFF086;
	s6 =	sadd.s32 @!p0 s3, s7;
	s7 =	simm.s32 @!p0 $0x108  }
0x21: {  	s3 =	sadd.s32 s3, s9;
	s6 =	sadd.s32 @!p0 $0x88, s6;
	s7 =	simm.s32 @p2 $0x1082  }
0x22: {  	[simem:s7], [sflag:s8] =	dma.local @!p0 [hbm:s6], $0xF7A  }
0x23: {  	s9 =	sor.u32 $0xD0000000, s2;
	s6 =	simm.s32 $0x108;
	_ =	swait.ge @!p0 [sflag:s8], $0x0  }
0x24: {  	s3 =	sadd.s32 $0x88, s3;
	s6 =	simm.s32 @!p1 $0x1082;
	[sflag:s4] =	ssyncset.s32 $0xFFFFF086  }
0x25: {  	[simem:s6], [sflag:s4] =	dma.local [hbm:s3], $0xF7A  }
0x26: {  	[smem:$0x3F61] =	sst s1;
	(tag) =	ssettag s2;
	_ =	strace s9  }
0x27: {  	s1 =	sld [smem:$0x3F71]  }
0x28: {  	s2 =	sld [smem:$0x3F72]  }
0x29: {  	s4 =	sld [smem:$0x3F74]  }
0x2a: {  	p0 =	seq.s32 s5, $0x0;
	s5 =	sld [smem:$0x3F75]  }
0x2b: {  	s6 =	sld [smem:$0x3F76]  }
0x2c: {  	s7 =	sld [smem:$0x3F77]  }
0x2d: {  	s3 =	simm.s32 $0x108;
	s8 =	sld [smem:$0x3F78]  }
0x2e: {  	s3 =	simm.s32 @!p0 $0x1082;
	s9 =	sld [smem:$0x3F79]  }
0x2f: {  	lr =	sadd.s32 s0, s3;
	s0 =	sld [smem:$0x3F70]  }
0x30: {  	s3 =	sld [smem:$0x3F73]  }
0x31: {  	[smem:$0x3F7C] =	sst s10  }
0x32: {  	s10 =	sld [smem:$0x3F7A];
	_ =	sdelay $0x3  }
0x33: {  	p0 =	seq.s32 s10, $0x1;
	s10 =	sld [smem:$0x3F7C];
	_ =	sdelay $0x3  }
0x34: {  	[smem:$0x3F7C] =	sst s10  }
0x35: {  	s10 =	sld [smem:$0x3F7B];
	_ =	sdelay $0x3  }
0x36: {  	p1 =	seq.s32 s10, $0x1;
	s10 =	sld [smem:$0x3F7C];
	_ =	sdelay $0x3  }
0x37: {  	[smem:$0x3F7C] =	sst s10  }
0x38: {  	s10 =	sld [smem:$0x3F7D]  }
0x39: {  	_ = 	snop;
	(pc) =	sbr.ind lr, $3  }
0x3a: {  	_ = 	snop  }
0x3b: {  	_ = 	snop  }
0x3c: {  	p2 =	seq.s32 s10, $0x1;
	s10 =	sld [smem:$0x3F7C]  }
0x3d: {  	_ =	shalt  }
0x3e: {  	_ =	shalt  }
0x3f: {  	_ =	shalt  }
0x40: {  	_ =	shalt  }
0x41: {  	_ =	shalt  }
0x42: {  	_ =	shalt  }
0x43: {  	_ =	shalt  }
0x44: {  	_ =	shalt  }
0x45: {  	_ =	shalt  }
0x46: {  	_ =	shalt  }
0x47: {  	_ =	shalt  }
0x48: {  	_ =	shalt  }
0x49: {  	_ =	shalt  }
0x4a: {  	_ =	shalt  }
0x4b: {  	_ =	shalt  }
0x4c: {  	_ =	shalt  }
0x4d: {  	_ =	shalt  }
0x4e: {  	_ =	shalt  }
0x4f: {  	_ =	shalt  }
0x50: {  	_ =	shalt  }
0x51: {  	_ =	shalt  }
0x52: {  	_ =	shalt  }
0x53: {  	_ =	shalt  }
0x54: {  	_ =	shalt  }
0x55: {  	_ =	shalt  }
0x56: {  	_ =	shalt  }
0x57: {  	_ =	shalt  }
0x58: {  	_ =	shalt  }
0x59: {  	_ =	shalt  }
0x5a: {  	_ =	shalt  }
0x5b: {  	_ =	shalt  }
0x5c: {  	_ =	shalt  }
0x5d: {  	_ =	shalt  }
0x5e: {  	_ =	shalt  }
0x5f: {  	_ =	shalt  }
0x60: {  	_ =	shalt  }
0x61: {  	_ =	shalt  }
0x62: {  	_ =	shalt  }
0x63: {  	_ =	shalt  }
0x64: {  	_ =	shalt  }
0x65: {  	_ =	shalt  }
0x66: {  	_ =	shalt  }
0x67: {  	_ =	shalt  }
0x68: {  	_ =	shalt  }
0x69: {  	_ =	shalt  }
0x6a: {  	_ =	shalt  }
0x6b: {  	_ =	shalt  }
0x6c: {  	_ =	shalt  }
0x6d: {  	_ =	shalt  }
0x6e: {  	_ =	shalt  }
0x6f: {  	_ =	shalt  }
0x70: {  	_ =	shalt  }
0x71: {  	_ =	shalt  }
0x72: {  	_ =	shalt  }
0x73: {  	_ =	shalt  }
0x74: {  	_ =	shalt  }
0x75: {  	_ =	shalt  }
0x76: {  	_ =	shalt  }
0x77: {  	_ =	shalt  }
0x78: {  	_ =	shalt  }
0x79: {  	_ =	shalt  }
0x7a: {  	_ =	shalt  }
0x7b: {  	_ =	shalt  }
0x7c: {  	_ =	shalt  }
0x7d: {  	_ =	shalt  }
0x7e: {  	_ =	shalt  }
0x7f: {  	_ =	shalt  }
0x80: {  	_ =	shalt  }
0x81: {  	_ =	shalt  }
0x82: {  	_ =	shalt  }
0x83: {  	_ =	shalt  }
0x84: {  	_ =	shalt  }
0x85: {  	_ =	shalt  }
0x86: {  	_ =	shalt  }
0x87: {  	_ =	shalt  }
.Lfunc_end0:
.L_simem_size_0:
called_computation.1_lowered:
.L_overlay_start_0:
0x88: {  	s2 =	sld [smem:$0x3FD9]  }
0x89: {  	s3 =	sld [smem:$0x3FFE];
	_ =	sdelay $0x1  }
0x8a: {  	s1 =	srdreg.scid  }
0x8b: {  	s0 =	sand.u32 $0x1, s1  }
0x8c: {  	s17 =	sshll.u32 s0, $0xA;
	s2 =	sadd.s32 s3, s2  }
0x8d: {  	s2 =	sadd.s32 s2, s17  }
0x8e: {  	[smem:$0x3F88] =	sst s2  }
0x8f: {  	_ = 	snop  }
0x90: {  	s2 =	sld [smem:$0x3FD0];
	(tm) =	ssettm $0x1  }
0x91: {  	s18 =	sld [smem:$0x3FFB];
	_ =	sdelay $0x3  }
0x92: {  	_ =	strace s18  }
0x93: {  	s3 =	sld [smem:$0x3FFC];
	_ =	sdelay $0x3  }
0x94: {  	_ =	strace s3  }
0x95: {  	s3 =	sld [smem:$0x3FFD];
	_ =	sdelay $0x3  }
0x96: {  	_ =	strace s3  }
0x97: {  	_ =	strace $0x8FFFFFFF  }
0x98: {  	s19 =	sld [smem:$0x3FDB];
	_ =	sdelay $0x1  }
0x99: {  	s4 =	simm.s32 $_scs_section_size  }
0x9a: {  	s5 =	simm.s32 $_size__tile_overlayer_lowered;
	s6 =	simm.s32 $_tile_overlayer_lowered  }
0x9b: {  	s22 =	simm.s32 $0x1BFF;
	s21 =	sshll.u32 s6, $0x1;
	s3 =	sadd.s32 s4, s19  }
0x9c: {  	s7 =	simm.s32 $0x0;
	s20 =	sshll.u32 s5, $0x1;
	s5 =	sadd.s32 s21, s3  }
0x9d: {  	[timem:s7], [sflag:s22] =	dma.local [hbm:s5], s20  }
0x9e: {  	_ =	swait.ge [sflag:s22], s20  }
0x9f: {  	s4 =	ssub.s32 $0x0, s20;
	[sflag:s22] =	ssyncset.done $0x0  }
0xa0: {  	[sflag:s22] =	ssyncadd.s32 s4;
	_ =	sdelay $0x1  }
0xa1: {  	s23 =	simm.s32 $0x1B8B  }
0xa2: {  	_ =	swait.ge [sflag:s23], $0x1  }
0xa3: {  	[sflag:s23] =	ssyncset.done $0x0  }
0xa4: {  	s25 =	simm.s32 $0x1B8E;
	s24 =	sld [smem:$0x3FFE];
	[sflag:s23] =	ssyncadd.s32 $0xFFFFFFFF  }
0xa5: {  	s26 =	simm.s32 $execute0_lowered;
	[smem:$0x3FD2] =	sst s25  }
0xa6: {  	s5 =	sshll.u32 s26, $0x1;
	_ =	strace $0x80000049;
	[dreg:$0x1] =	wrdreg $0xFFFFFFFF  }
0xa7: {  	s28 =	simm.s32 $_size_execute0_lowered;
	s3 =	sadd.s32 s3, s5;
	[dreg:$0x0] =	wrdreg $0x0  }
0xa8: {  	s5 =	sshll.u32 s28, $0x1;
	[dreg:$0x2] =	wrdreg s3  }
0xa9: {  	[dreg:$0x3] =	wrdreg s5  }
0xaa: {  	[dreg:$0x4] =	wrdreg $0xC0  }
0xab: {  	_ =	task [dreg:s7], $0x5FFFF  }
0xac: {  	[dreg:$0x1] =	wrdreg $0xFFFFFFFF  }
0xad: {  	[dreg:$0x0] =	wrdreg $0x60  }
0xae: {  	[dreg:$0x2] =	wrdreg s24  }
0xaf: {  	[dreg:$0x3] =	wrdreg s2  }
0xb0: {  	[dreg:$0x4] =	wrdreg $0x9  }
0xb1: {  	_ =	task.clear_ibuf [dreg:s7], $0x5FFFF;
	_ =	strace $0x90000049  }
0xb2: {  	s29 =	simm.s32 $0x9;
	_ =	strace $0x8000004B  }
0xb3: {  	_ =	swait.ge [sflag:s29], $0x1  }
0xb4: {  	[sflag:s29] =	ssyncadd.s32 $0xFFFFFFFF  }
0xb5: {  	_ =	strace $0x9000004B  }
0xb6: {  	_ =	sfence  }
0xb7: {  	s30 =	sld [smem:$0x0];
	_ =	sdelay $0x2  }
0xb8: {  	s31 =	sshll.u32 s1, $0xD;
	s1 =	sshrl.u32 s1, $0x2  }
0xb9: {  	s3 =	sand.u32 $0x4000, s31;
	s1 =	sadd.s32 s1, s30  }
0xba: {  	s0 =	sor.u32 s3, s0;
	s1 =	sshll.u32 s1, $0x11  }
0xbb: {  	s0 =	sor.u32 s1, s0  }
0xbc: {  	s0 =	sadd.s32 $0x8F2B, s0  }
0xbd: {  	[sflag:s0] =	ssyncadd.remote.s32 $0x1  }
0xbe: {  	_ =	sfence.sel $0xFFFF  }
0xbf: {  	[dreg:$0x0] =	wrdreg $0xFFFFFFFF;
	(pc) =	sbr.abs _section_cstart, $3  }
0xc0: {  	[dreg:$0x1] =	wrdreg $0xFFFFFFFF  }
0xc1: {  	_ =	task.clear_ibuf [dreg:s7], $0x2FFFF;
	_ =	strace $0x9FFFFFFF  }
0xc2: {  	(tm) =	ssettm $0x7FFFFFFF  }
0xc3: {  	_ =	shalt  }
tec
execute0_lowered:
.L_overlay_start_1:
0x0: {  	(tag) =	ssettag $0x1  }
0x1: {  	s4 =	rddreg [dreg:$0x0]  }
0x2: {  	s5 =	rddreg [dreg:$0x1]  }
0x3: {  	s0 =	rddreg [dreg:$0x2];
	s1 =	simm.s32 $0x0;
	s2 =	srdreg.scid  }
0x4: {  	s11 =	simm.s32 $0x200;
	s12 =	simm.s32 $0xA00;
	s13 =	simm.s32 $0x1200  }
0x5: {  	s14 =	simm.s32 $0x1A00;
	s15 =	simm.s32 $0x2200;
	s16 =	simm.s32 $0x2A00  }
0x6: {  	s17 =	simm.s32 $0x3200;
	s18 =	simm.s32 $0x3A00;
	s19 =	simm.s32 $0x4200  }
0x7: {  	s20 =	simm.s32 $0x4A00;
	s21 =	simm.s32 $0x5200;
	s22 =	simm.s32 $0x5A00  }
0x8: {  	s23 =	simm.s32 $0x6200;
	s24 =	simm.s32 $0x6A00;
	s25 =	simm.s32 $0x7200  }
0x9: {  	s26 =	simm.s32 $0x7A00;
	s28 =	simm.s32 $0x1;
	[smem:$0x7FF] =	sst s1  }
0xa: {  	s6 =	sand.u32 $0x1, s2;
	s3 =	sadd.s32 $0x46C00, s4;
	s2 =	stileid.u32  }
0xb: {  	_ =	strace $0x8000004A;
	s7 =	sshll.u32 s6, $0x6;
	s30 =	sshll.u32 s2, $0xF  }
0xc: {  	s8 =	sshll.u32 s6, $0xE;
	s6 =	ssub.s32 $0x2, s6;
	s9 =	sshll.u32 s2, $0x7  }
0xd: {  	s4 =	sadd.s32 s7, s4;
	s7 =	sor.u32 s8, s30;
	s31 =	sshrl.u32 s6, $0x1  }
0xe: {  	v2 =	vlaneseq.u32;
	s9 =	sadd.s32 s9, s4;
	s4 =	sadd.s32 s5, s7;
	s10 =	ssub.s32 s6, s31  }
0xf: {  	vm0 =	vmmov $0xffff;
	v1 =	vshrl.u32 v2, $0x3;
	s5 =	sadd.s32 $0x46400, s9;
	s6 =	sadd.s32 $0x1000, s4;
	s7 =	sadd.s32 $0x2000, s4  }
0x10: {  	v0 =	vand.u32 $0x7, v2;
	v2 =	vor.u32 $0x8, v2;
	v1 =	vmul.u32 $0x8, v1;
	s8 =	sadd.s32 $0x3000, s4;
	s9 =	smax.u32 s10, $0x1;
	s10 =	simm.s32 $0x2  }
.LBB2_1:
0x11: {  	[tilespmem:s1], [sflag:$0x2] =	stream.linear.gather [hbm4b:s5+s1], $0x200, $0x38;
	[tilespmem:$0x8200] =	vst v63  }
0x12: {  	_ =	swait.ge [sflag:s10], $0x200  }
0x13: {  	[sflag:s10] =	ssyncset.done $0x0  }
0x14: {  	[sflag:s10] =	ssyncadd.s32 $0xFFFFFE00  }
0x15: {  	v3 =	vld [tilespmem:$0x0];
	_ =	sdelay $0x4  }
0x16: {  	v4 =	vshll.u32 v3, $0x1  }
0x17: {  	v3 =	vand.u32 $0x7, v3;
	v4 =	vand.u32 $0xFFFFFFF0, v4  }
0x18: {  	v3 =	vor.u32 v3, v4  }
0x19: {  	v4 =	vperm.xlane v3, v0;
	_ =	sdelay $0x1  }
0x1a: {  	v3 =	vperm.xlane v3, v2;
	v4 =	vadd.s32 v1, v4;
	_ =	sdelay $0x1  }
0x1b: {  	v3 =	vadd.s32 v1, v3;
	_ =	sdelay $0x2  }
0x1c: {  	[tilespmem:s11], [sflag:$0x1] =	stream.indirect_vreg.gather [hbm4b:s3+s1], $0x80, v4, vm0, $0xb8;
	[tilespmem:$0x8200] =	vst v63  }
0x1d: {  	_ = 	snop  }
0x1e: {  	[tilespmem:s12], [sflag:$0x1] =	stream.indirect_vreg.gather [hbm4b:s3+s1], $0x80, v3, vm0, $0xb8;
	[tilespmem:$0x8200] =	vst v63  }
0x1f: {  	v3 =	vld [tilespmem:$0x10];
	_ =	sdelay $0x4  }
0x20: {  	v33 =	vshll.u32 v3, $0x1  }
0x21: {  	v3 =	vand.u32 $0x7, v3;
	v4 =	vand.u32 $0xFFFFFFF0, v33  }
0x22: {  	v3 =	vor.u32 v3, v4  }
0x23: {  	v4 =	vperm.xlane v3, v0;
	_ =	sdelay $0x1  }
0x24: {  	v3 =	vperm.xlane v3, v2;
	v4 =	vadd.s32 v1, v4;
	_ =	sdelay $0x1  }
0x25: {  	v3 =	vadd.s32 v1, v3;
	_ =	sdelay $0x2  }
0x26: {  	[tilespmem:s13], [sflag:$0x1] =	stream.indirect_vreg.gather [hbm4b:s3+s1], $0x80, v4, vm0, $0xb8;
	[tilespmem:$0x8200] =	vst v63  }
0x27: {  	_ = 	snop  }
0x28: {  	[tilespmem:s14], [sflag:$0x1] =	stream.indirect_vreg.gather [hbm4b:s3+s1], $0x80, v3, vm0, $0xb8;
	[tilespmem:$0x8200] =	vst v63  }
0x29: {  	v3 =	vld [tilespmem:$0x20];
	_ =	sdelay $0x4  }
0x2a: {  	v34 =	vshll.u32 v3, $0x1  }
0x2b: {  	v3 =	vand.u32 $0x7, v3;
	v4 =	vand.u32 $0xFFFFFFF0, v34  }
0x2c: {  	v3 =	vor.u32 v3, v4  }
0x2d: {  	v4 =	vperm.xlane v3, v0;
	_ =	sdelay $0x1  }
0x2e: {  	v3 =	vperm.xlane v3, v2;
	v4 =	vadd.s32 v1, v4;
	_ =	sdelay $0x1  }
0x2f: {  	v3 =	vadd.s32 v1, v3;
	_ =	sdelay $0x2  }
0x30: {  	[tilespmem:s15], [sflag:$0x1] =	stream.indirect_vreg.gather [hbm4b:s3+s1], $0x80, v4, vm0, $0xb8;
	[tilespmem:$0x8200] =	vst v63  }
0x31: {  	_ = 	snop  }
0x32: {  	[tilespmem:s16], [sflag:$0x1] =	stream.indirect_vreg.gather [hbm4b:s3+s1], $0x80, v3, vm0, $0xb8;
	[tilespmem:$0x8200] =	vst v63  }
0x33: {  	v3 =	vld [tilespmem:$0x30];
	_ =	sdelay $0x4  }
0x34: {  	v35 =	vshll.u32 v3, $0x1  }
0x35: {  	v3 =	vand.u32 $0x7, v3;
	v4 =	vand.u32 $0xFFFFFFF0, v35  }
0x36: {  	v3 =	vor.u32 v3, v4  }
0x37: {  	v4 =	vperm.xlane v3, v0;
	_ =	sdelay $0x1  }
0x38: {  	v3 =	vperm.xlane v3, v2;
	v4 =	vadd.s32 v1, v4;
	_ =	sdelay $0x1  }
0x39: {  	v3 =	vadd.s32 v1, v3;
	_ =	sdelay $0x2  }
0x3a: {  	[tilespmem:s17], [sflag:$0x1] =	stream.indirect_vreg.gather [hbm4b:s3+s1], $0x80, v4, vm0, $0xb8;
	[tilespmem:$0x8200] =	vst v63  }
0x3b: {  	_ = 	snop  }
0x3c: {  	[tilespmem:s18], [sflag:$0x1] =	stream.indirect_vreg.gather [hbm4b:s3+s1], $0x80, v3, vm0, $0xb8;
	[tilespmem:$0x8200] =	vst v63  }
0x3d: {  	v3 =	vld [tilespmem:$0x40];
	_ =	sdelay $0x4  }
0x3e: {  	v36 =	vshll.u32 v3, $0x1  }
0x3f: {  	v3 =	vand.u32 $0x7, v3;
	v4 =	vand.u32 $0xFFFFFFF0, v36  }
0x40: {  	v3 =	vor.u32 v3, v4  }
0x41: {  	v4 =	vperm.xlane v3, v0;
	_ =	sdelay $0x1  }
0x42: {  	v3 =	vperm.xlane v3, v2;
	v4 =	vadd.s32 v1, v4;
	_ =	sdelay $0x1  }
0x43: {  	v3 =	vadd.s32 v1, v3;
	_ =	sdelay $0x2  }
0x44: {  	[tilespmem:s19], [sflag:$0x1] =	stream.indirect_vreg.gather [hbm4b:s3+s1], $0x80, v4, vm0, $0xb8;
	[tilespmem:$0x8200] =	vst v63  }
0x45: {  	_ = 	snop  }
0x46: {  	[tilespmem:s20], [sflag:$0x1] =	stream.indirect_vreg.gather [hbm4b:s3+s1], $0x80, v3, vm0, $0xb8;
	[tilespmem:$0x8200] =	vst v63  }
0x47: {  	v3 =	vld [tilespmem:$0x50];
	_ =	sdelay $0x4  }
0x48: {  	v37 =	vshll.u32 v3, $0x1  }
0x49: {  	v3 =	vand.u32 $0x7, v3;
	v4 =	vand.u32 $0xFFFFFFF0, v37  }
0x4a: {  	v3 =	vor.u32 v3, v4  }
0x4b: {  	v4 =	vperm.xlane v3, v0;
	_ =	sdelay $0x1  }
0x4c: {  	v3 =	vperm.xlane v3, v2;
	v4 =	vadd.s32 v1, v4;
	_ =	sdelay $0x1  }
0x4d: {  	v3 =	vadd.s32 v1, v3;
	_ =	sdelay $0x2  }
0x4e: {  	[tilespmem:s21], [sflag:$0x1] =	stream.indirect_vreg.gather [hbm4b:s3+s1], $0x80, v4, vm0, $0xb8;
	[tilespmem:$0x8200] =	vst v63  }
0x4f: {  	_ = 	snop  }
0x50: {  	[tilespmem:s22], [sflag:$0x1] =	stream.indirect_vreg.gather [hbm4b:s3+s1], $0x80, v3, vm0, $0xb8;
	[tilespmem:$0x8200] =	vst v63  }
0x51: {  	v3 =	vld [tilespmem:$0x60];
	_ =	sdelay $0x4  }
0x52: {  	v38 =	vshll.u32 v3, $0x1  }
0x53: {  	v3 =	vand.u32 $0x7, v3;
	v4 =	vand.u32 $0xFFFFFFF0, v38  }
0x54: {  	v3 =	vor.u32 v3, v4  }
0x55: {  	v4 =	vperm.xlane v3, v0;
	_ =	sdelay $0x1  }
0x56: {  	v3 =	vperm.xlane v3, v2;
	v4 =	vadd.s32 v1, v4;
	_ =	sdelay $0x1  }
0x57: {  	v3 =	vadd.s32 v1, v3;
	_ =	sdelay $0x2  }
0x58: {  	[tilespmem:s23], [sflag:$0x1] =	stream.indirect_vreg.gather [hbm4b:s3+s1], $0x80, v4, vm0, $0xb8;
	[tilespmem:$0x8200] =	vst v63  }
0x59: {  	_ = 	snop  }
0x5a: {  	[tilespmem:s24], [sflag:$0x1] =	stream.indirect_vreg.gather [hbm4b:s3+s1], $0x80, v3, vm0, $0xb8;
	[tilespmem:$0x8200] =	vst v63  }
0x5b: {  	v3 =	vld [tilespmem:$0x70];
	_ =	sdelay $0x4  }
0x5c: {  	v39 =	vshll.u32 v3, $0x1  }
0x5d: {  	v3 =	vand.u32 $0x7, v3;
	v4 =	vand.u32 $0xFFFFFFF0, v39  }
0x5e: {  	v3 =	vor.u32 v3, v4  }
0x5f: {  	v4 =	vperm.xlane v3, v0;
	_ =	sdelay $0x1  }
0x60: {  	v3 =	vperm.xlane v3, v2;
	v4 =	vadd.s32 v1, v4;
	_ =	sdelay $0x1  }
0x61: {  	v3 =	vadd.s32 v1, v3;
	_ =	sdelay $0x2  }
0x62: {  	[tilespmem:s25], [sflag:$0x1] =	stream.indirect_vreg.gather [hbm4b:s3+s1], $0x80, v4, vm0, $0xb8;
	[tilespmem:$0x8200] =	vst v63  }
0x63: {  	_ = 	snop  }
0x64: {  	[tilespmem:s26], [sflag:$0x1] =	stream.indirect_vreg.gather [hbm4b:s3+s1], $0x80, v3, vm0, $0xb8;
	[tilespmem:$0x8200] =	vst v63  }
0x65: {  	_ =	swait.ge [sflag:s28], $0x8000  }
0x66: {  	[sflag:s28] =	ssyncset.done $0x0  }
0x67: {  	[sflag:s28] =	ssyncadd.s32 $0xFFFF8000  }
0x68: {  	[hbm4b:s4+s1] =	stream.linear.scatter [tilespmem:s11], [sflag:$0x2], $0x8000, $0x38;
	[tilespmem:$0x8200] =	vst v63  }
0x69: {  	_ =	swait.ge [sflag:s10], $0x8000  }
0x6a: {  	[sflag:s10] =	ssyncset.done $0x0  }
0x6b: {  	[sflag:s10] =	ssyncadd.s32 $0xFFFF8000  }
0x6c: {  	v3 =	vld [tilespmem:$0x80];
	_ =	sdelay $0x4  }
0x6d: {  	v40 =	vshll.u32 v3, $0x1  }
0x6e: {  	v3 =	vand.u32 $0x7, v3;
	v4 =	vand.u32 $0xFFFFFFF0, v40  }
0x6f: {  	v3 =	vor.u32 v3, v4  }
0x70: {  	v4 =	vperm.xlane v3, v0;
	_ =	sdelay $0x1  }
0x71: {  	v3 =	vperm.xlane v3, v2;
	v4 =	vadd.s32 v1, v4;
	_ =	sdelay $0x1  }
0x72: {  	v3 =	vadd.s32 v1, v3;
	_ =	sdelay $0x2  }
0x73: {  	[tilespmem:s11], [sflag:$0x1] =	stream.indirect_vreg.gather [hbm4b:s3+s1], $0x80, v4, vm0, $0xb8;
	[tilespmem:$0x8200] =	vst v63  }
0x74: {  	_ = 	snop  }
0x75: {  	[tilespmem:s12], [sflag:$0x1] =	stream.indirect_vreg.gather [hbm4b:s3+s1], $0x80, v3, vm0, $0xb8;
	[tilespmem:$0x8200] =	vst v63  }
0x76: {  	v3 =	vld [tilespmem:$0x90];
	_ =	sdelay $0x4  }
0x77: {  	v41 =	vshll.u32 v3, $0x1  }
0x78: {  	v3 =	vand.u32 $0x7, v3;
	v4 =	vand.u32 $0xFFFFFFF0, v41  }
0x79: {  	v3 =	vor.u32 v3, v4  }
0x7a: {  	v4 =	vperm.xlane v3, v0;
	_ =	sdelay $0x1  }
0x7b: {  	v3 =	vperm.xlane v3, v2;
	v4 =	vadd.s32 v1, v4;
	_ =	sdelay $0x1  }
0x7c: {  	v3 =	vadd.s32 v1, v3;
	_ =	sdelay $0x2  }
0x7d: {  	[tilespmem:s13], [sflag:$0x1] =	stream.indirect_vreg.gather [hbm4b:s3+s1], $0x80, v4, vm0, $0xb8;
	[tilespmem:$0x8200] =	vst v63  }
0x7e: {  	_ = 	snop  }
0x7f: {  	[tilespmem:s14], [sflag:$0x1] =	stream.indirect_vreg.gather [hbm4b:s3+s1], $0x80, v3, vm0, $0xb8;
	[tilespmem:$0x8200] =	vst v63  }
0x80: {  	v3 =	vld [tilespmem:$0xA0];
	_ =	sdelay $0x4  }
0x81: {  	v42 =	vshll.u32 v3, $0x1  }
0x82: {  	v3 =	vand.u32 $0x7, v3;
	v4 =	vand.u32 $0xFFFFFFF0, v42  }
0x83: {  	v3 =	vor.u32 v3, v4  }
0x84: {  	v4 =	vperm.xlane v3, v0;
	_ =	sdelay $0x1  }
0x85: {  	v3 =	vperm.xlane v3, v2;
	v4 =	vadd.s32 v1, v4;
	_ =	sdelay $0x1  }
0x86: {  	v3 =	vadd.s32 v1, v3;
	_ =	sdelay $0x2  }
0x87: {  	[tilespmem:s15], [sflag:$0x1] =	stream.indirect_vreg.gather [hbm4b:s3+s1], $0x80, v4, vm0, $0xb8;
	[tilespmem:$0x8200] =	vst v63  }
0x88: {  	_ = 	snop  }
0x89: {  	[tilespmem:s16], [sflag:$0x1] =	stream.indirect_vreg.gather [hbm4b:s3+s1], $0x80, v3, vm0, $0xb8;
	[tilespmem:$0x8200] =	vst v63  }
0x8a: {  	v3 =	vld [tilespmem:$0xB0];
	_ =	sdelay $0x4  }
0x8b: {  	v43 =	vshll.u32 v3, $0x1  }
0x8c: {  	v3 =	vand.u32 $0x7, v3;
	v4 =	vand.u32 $0xFFFFFFF0, v43  }
0x8d: {  	v3 =	vor.u32 v3, v4  }
0x8e: {  	v4 =	vperm.xlane v3, v0;
	_ =	sdelay $0x1  }
0x8f: {  	v3 =	vperm.xlane v3, v2;
	v4 =	vadd.s32 v1, v4;
	_ =	sdelay $0x1  }
0x90: {  	v3 =	vadd.s32 v1, v3;
	_ =	sdelay $0x2  }
0x91: {  	[tilespmem:s17], [sflag:$0x1] =	stream.indirect_vreg.gather [hbm4b:s3+s1], $0x80, v4, vm0, $0xb8;
	[tilespmem:$0x8200] =	vst v63  }
0x92: {  	_ = 	snop  }
0x93: {  	[tilespmem:s18], [sflag:$0x1] =	stream.indirect_vreg.gather [hbm4b:s3+s1], $0x80, v3, vm0, $0xb8;
	[tilespmem:$0x8200] =	vst v63  }
0x94: {  	v3 =	vld [tilespmem:$0xC0];
	_ =	sdelay $0x4  }
0x95: {  	v44 =	vshll.u32 v3, $0x1  }
0x96: {  	v3 =	vand.u32 $0x7, v3;
	v4 =	vand.u32 $0xFFFFFFF0, v44  }
0x97: {  	v3 =	vor.u32 v3, v4  }
0x98: {  	v4 =	vperm.xlane v3, v0;
	_ =	sdelay $0x1  }
0x99: {  	v3 =	vperm.xlane v3, v2;
	v4 =	vadd.s32 v1, v4;
	_ =	sdelay $0x1  }
0x9a: {  	v3 =	vadd.s32 v1, v3;
	_ =	sdelay $0x2  }
0x9b: {  	[tilespmem:s19], [sflag:$0x1] =	stream.indirect_vreg.gather [hbm4b:s3+s1], $0x80, v4, vm0, $0xb8;
	[tilespmem:$0x8200] =	vst v63  }
0x9c: {  	_ = 	snop  }
0x9d: {  	[tilespmem:s20], [sflag:$0x1] =	stream.indirect_vreg.gather [hbm4b:s3+s1], $0x80, v3, vm0, $0xb8;
	[tilespmem:$0x8200] =	vst v63  }
0x9e: {  	v3 =	vld [tilespmem:$0xD0];
	_ =	sdelay $0x4  }
0x9f: {  	v45 =	vshll.u32 v3, $0x1  }
0xa0: {  	v3 =	vand.u32 $0x7, v3;
	v4 =	vand.u32 $0xFFFFFFF0, v45  }
0xa1: {  	v3 =	vor.u32 v3, v4  }
0xa2: {  	v4 =	vperm.xlane v3, v0;
	_ =	sdelay $0x1  }
0xa3: {  	v3 =	vperm.xlane v3, v2;
	v4 =	vadd.s32 v1, v4;
	_ =	sdelay $0x1  }
0xa4: {  	v3 =	vadd.s32 v1, v3;
	_ =	sdelay $0x2  }
0xa5: {  	[tilespmem:s21], [sflag:$0x1] =	stream.indirect_vreg.gather [hbm4b:s3+s1], $0x80, v4, vm0, $0xb8;
	[tilespmem:$0x8200] =	vst v63  }
0xa6: {  	_ = 	snop  }
0xa7: {  	[tilespmem:s22], [sflag:$0x1] =	stream.indirect_vreg.gather [hbm4b:s3+s1], $0x80, v3, vm0, $0xb8;
	[tilespmem:$0x8200] =	vst v63  }
0xa8: {  	v3 =	vld [tilespmem:$0xE0];
	_ =	sdelay $0x4  }
0xa9: {  	v46 =	vshll.u32 v3, $0x1  }
0xaa: {  	v3 =	vand.u32 $0x7, v3;
	v4 =	vand.u32 $0xFFFFFFF0, v46  }
0xab: {  	v3 =	vor.u32 v3, v4  }
0xac: {  	v4 =	vperm.xlane v3, v0;
	_ =	sdelay $0x1  }
0xad: {  	v3 =	vperm.xlane v3, v2;
	v4 =	vadd.s32 v1, v4;
	_ =	sdelay $0x1  }
0xae: {  	v3 =	vadd.s32 v1, v3;
	_ =	sdelay $0x2  }
0xaf: {  	[tilespmem:s23], [sflag:$0x1] =	stream.indirect_vreg.gather [hbm4b:s3+s1], $0x80, v4, vm0, $0xb8;
	[tilespmem:$0x8200] =	vst v63  }
0xb0: {  	_ = 	snop  }
0xb1: {  	[tilespmem:s24], [sflag:$0x1] =	stream.indirect_vreg.gather [hbm4b:s3+s1], $0x80, v3, vm0, $0xb8;
	[tilespmem:$0x8200] =	vst v63  }
0xb2: {  	v3 =	vld [tilespmem:$0xF0];
	_ =	sdelay $0x4  }
0xb3: {  	v47 =	vshll.u32 v3, $0x1  }
0xb4: {  	v3 =	vand.u32 $0x7, v3;
	v4 =	vand.u32 $0xFFFFFFF0, v47  }
0xb5: {  	v3 =	vor.u32 v3, v4  }
0xb6: {  	v4 =	vperm.xlane v3, v0;
	_ =	sdelay $0x1  }
0xb7: {  	v3 =	vperm.xlane v3, v2;
	v4 =	vadd.s32 v1, v4;
	_ =	sdelay $0x1  }
0xb8: {  	v3 =	vadd.s32 v1, v3;
	_ =	sdelay $0x2  }
0xb9: {  	[tilespmem:s25], [sflag:$0x1] =	stream.indirect_vreg.gather [hbm4b:s3+s1], $0x80, v4, vm0, $0xb8;
	[tilespmem:$0x8200] =	vst v63  }
0xba: {  	_ = 	snop  }
0xbb: {  	[tilespmem:s26], [sflag:$0x1] =	stream.indirect_vreg.gather [hbm4b:s3+s1], $0x80, v3, vm0, $0xb8;
	[tilespmem:$0x8200] =	vst v63  }
0xbc: {  	_ =	swait.ge [sflag:s28], $0x8000  }
0xbd: {  	[sflag:s28] =	ssyncset.done $0x0  }
0xbe: {  	[sflag:s28] =	ssyncadd.s32 $0xFFFF8000  }
0xbf: {  	[hbm4b:s6+s1] =	stream.linear.scatter [tilespmem:s11], [sflag:$0x2], $0x8000, $0x38;
	[tilespmem:$0x8200] =	vst v63  }
0xc0: {  	_ =	swait.ge [sflag:s10], $0x8000  }
0xc1: {  	[sflag:s10] =	ssyncset.done $0x0  }
0xc2: {  	[sflag:s10] =	ssyncadd.s32 $0xFFFF8000  }
0xc3: {  	v3 =	vld [tilespmem:$0x100];
	_ =	sdelay $0x4  }
0xc4: {  	v48 =	vshll.u32 v3, $0x1  }
0xc5: {  	v3 =	vand.u32 $0x7, v3;
	v4 =	vand.u32 $0xFFFFFFF0, v48  }
0xc6: {  	v3 =	vor.u32 v3, v4  }
0xc7: {  	v4 =	vperm.xlane v3, v0;
	_ =	sdelay $0x1  }
0xc8: {  	v3 =	vperm.xlane v3, v2;
	v4 =	vadd.s32 v1, v4;
	_ =	sdelay $0x1  }
0xc9: {  	v3 =	vadd.s32 v1, v3;
	_ =	sdelay $0x2  }
0xca: {  	[tilespmem:s11], [sflag:$0x1] =	stream.indirect_vreg.gather [hbm4b:s3+s1], $0x80, v4, vm0, $0xb8;
	[tilespmem:$0x8200] =	vst v63  }
0xcb: {  	_ = 	snop  }
0xcc: {  	[tilespmem:s12], [sflag:$0x1] =	stream.indirect_vreg.gather [hbm4b:s3+s1], $0x80, v3, vm0, $0xb8;
	[tilespmem:$0x8200] =	vst v63  }
0xcd: {  	v3 =	vld [tilespmem:$0x110];
	_ =	sdelay $0x4  }
0xce: {  	v49 =	vshll.u32 v3, $0x1  }
0xcf: {  	v3 =	vand.u32 $0x7, v3;
	v4 =	vand.u32 $0xFFFFFFF0, v49  }
0xd0: {  	v3 =	vor.u32 v3, v4  }
0xd1: {  	v4 =	vperm.xlane v3, v0;
	_ =	sdelay $0x1  }
0xd2: {  	v3 =	vperm.xlane v3, v2;
	v4 =	vadd.s32 v1, v4;
	_ =	sdelay $0x1  }
0xd3: {  	v3 =	vadd.s32 v1, v3;
	_ =	sdelay $0x2  }
0xd4: {  	[tilespmem:s13], [sflag:$0x1] =	stream.indirect_vreg.gather [hbm4b:s3+s1], $0x80, v4, vm0, $0xb8;
	[tilespmem:$0x8200] =	vst v63  }
0xd5: {  	_ = 	snop  }
0xd6: {  	[tilespmem:s14], [sflag:$0x1] =	stream.indirect_vreg.gather [hbm4b:s3+s1], $0x80, v3, vm0, $0xb8;
	[tilespmem:$0x8200] =	vst v63  }
0xd7: {  	v3 =	vld [tilespmem:$0x120];
	_ =	sdelay $0x4  }
0xd8: {  	v50 =	vshll.u32 v3, $0x1  }
0xd9: {  	v3 =	vand.u32 $0x7, v3;
	v4 =	vand.u32 $0xFFFFFFF0, v50  }
0xda: {  	v3 =	vor.u32 v3, v4  }
0xdb: {  	v4 =	vperm.xlane v3, v0;
	_ =	sdelay $0x1  }
0xdc: {  	v3 =	vperm.xlane v3, v2;
	v4 =	vadd.s32 v1, v4;
	_ =	sdelay $0x1  }
0xdd: {  	v3 =	vadd.s32 v1, v3;
	_ =	sdelay $0x2  }
0xde: {  	[tilespmem:s15], [sflag:$0x1] =	stream.indirect_vreg.gather [hbm4b:s3+s1], $0x80, v4, vm0, $0xb8;
	[tilespmem:$0x8200] =	vst v63  }
0xdf: {  	_ = 	snop  }
0xe0: {  	[tilespmem:s16], [sflag:$0x1] =	stream.indirect_vreg.gather [hbm4b:s3+s1], $0x80, v3, vm0, $0xb8;
	[tilespmem:$0x8200] =	vst v63  }
0xe1: {  	v3 =	vld [tilespmem:$0x130];
	_ =	sdelay $0x4  }
0xe2: {  	v51 =	vshll.u32 v3, $0x1  }
0xe3: {  	v3 =	vand.u32 $0x7, v3;
	v4 =	vand.u32 $0xFFFFFFF0, v51  }
0xe4: {  	v3 =	vor.u32 v3, v4  }
0xe5: {  	v4 =	vperm.xlane v3, v0;
	_ =	sdelay $0x1  }
0xe6: {  	v3 =	vperm.xlane v3, v2;
	v4 =	vadd.s32 v1, v4;
	_ =	sdelay $0x1  }
0xe7: {  	v3 =	vadd.s32 v1, v3;
	_ =	sdelay $0x2  }
0xe8: {  	[tilespmem:s17], [sflag:$0x1] =	stream.indirect_vreg.gather [hbm4b:s3+s1], $0x80, v4, vm0, $0xb8;
	[tilespmem:$0x8200] =	vst v63  }
0xe9: {  	_ = 	snop  }
0xea: {  	[tilespmem:s18], [sflag:$0x1] =	stream.indirect_vreg.gather [hbm4b:s3+s1], $0x80, v3, vm0, $0xb8;
	[tilespmem:$0x8200] =	vst v63  }
0xeb: {  	v3 =	vld [tilespmem:$0x140];
	_ =	sdelay $0x4  }
0xec: {  	v52 =	vshll.u32 v3, $0x1  }
0xed: {  	v3 =	vand.u32 $0x7, v3;
	v4 =	vand.u32 $0xFFFFFFF0, v52  }
0xee: {  	v3 =	vor.u32 v3, v4  }
0xef: {  	v4 =	vperm.xlane v3, v0;
	_ =	sdelay $0x1  }
0xf0: {  	v3 =	vperm.xlane v3, v2;
	v4 =	vadd.s32 v1, v4;
	_ =	sdelay $0x1  }
0xf1: {  	v3 =	vadd.s32 v1, v3;
	_ =	sdelay $0x2  }
0xf2: {  	[tilespmem:s19], [sflag:$0x1] =	stream.indirect_vreg.gather [hbm4b:s3+s1], $0x80, v4, vm0, $0xb8;
	[tilespmem:$0x8200] =	vst v63  }
0xf3: {  	_ = 	snop  }
0xf4: {  	[tilespmem:s20], [sflag:$0x1] =	stream.indirect_vreg.gather [hbm4b:s3+s1], $0x80, v3, vm0, $0xb8;
	[tilespmem:$0x8200] =	vst v63  }
0xf5: {  	v3 =	vld [tilespmem:$0x150];
	_ =	sdelay $0x4  }
0xf6: {  	v53 =	vshll.u32 v3, $0x1  }
0xf7: {  	v3 =	vand.u32 $0x7, v3;
	v4 =	vand.u32 $0xFFFFFFF0, v53  }
0xf8: {  	v3 =	vor.u32 v3, v4  }
0xf9: {  	v4 =	vperm.xlane v3, v0;
	_ =	sdelay $0x1  }
0xfa: {  	v3 =	vperm.xlane v3, v2;
	v4 =	vadd.s32 v1, v4;
	_ =	sdelay $0x1  }
0xfb: {  	v3 =	vadd.s32 v1, v3;
	_ =	sdelay $0x2  }
0xfc: {  	[tilespmem:s21], [sflag:$0x1] =	stream.indirect_vreg.gather [hbm4b:s3+s1], $0x80, v4, vm0, $0xb8;
	[tilespmem:$0x8200] =	vst v63  }
0xfd: {  	_ = 	snop  }
0xfe: {  	[tilespmem:s22], [sflag:$0x1] =	stream.indirect_vreg.gather [hbm4b:s3+s1], $0x80, v3, vm0, $0xb8;
	[tilespmem:$0x8200] =	vst v63  }
0xff: {  	v3 =	vld [tilespmem:$0x160];
	_ =	sdelay $0x4  }
0x100: {  	v54 =	vshll.u32 v3, $0x1  }
0x101: {  	v3 =	vand.u32 $0x7, v3;
	v4 =	vand.u32 $0xFFFFFFF0, v54  }
0x102: {  	v3 =	vor.u32 v3, v4  }
0x103: {  	v4 =	vperm.xlane v3, v0;
	_ =	sdelay $0x1  }
0x104: {  	v3 =	vperm.xlane v3, v2;
	v4 =	vadd.s32 v1, v4;
	_ =	sdelay $0x1  }
0x105: {  	v3 =	vadd.s32 v1, v3;
	_ =	sdelay $0x2  }
0x106: {  	[tilespmem:s23], [sflag:$0x1] =	stream.indirect_vreg.gather [hbm4b:s3+s1], $0x80, v4, vm0, $0xb8;
	[tilespmem:$0x8200] =	vst v63  }
0x107: {  	_ = 	snop  }
0x108: {  	[tilespmem:s24], [sflag:$0x1] =	stream.indirect_vreg.gather [hbm4b:s3+s1], $0x80, v3, vm0, $0xb8;
	[tilespmem:$0x8200] =	vst v63  }
0x109: {  	v3 =	vld [tilespmem:$0x170];
	_ =	sdelay $0x4  }
0x10a: {  	v55 =	vshll.u32 v3, $0x1  }
0x10b: {  	v3 =	vand.u32 $0x7, v3;
	v4 =	vand.u32 $0xFFFFFFF0, v55  }
0x10c: {  	v3 =	vor.u32 v3, v4  }
0x10d: {  	v4 =	vperm.xlane v3, v0;
	_ =	sdelay $0x1  }
0x10e: {  	v3 =	vperm.xlane v3, v2;
	v4 =	vadd.s32 v1, v4;
	_ =	sdelay $0x1  }
0x10f: {  	v3 =	vadd.s32 v1, v3;
	_ =	sdelay $0x2  }
0x110: {  	[tilespmem:s25], [sflag:$0x1] =	stream.indirect_vreg.gather [hbm4b:s3+s1], $0x80, v4, vm0, $0xb8;
	[tilespmem:$0x8200] =	vst v63  }
0x111: {  	_ = 	snop  }
0x112: {  	[tilespmem:s26], [sflag:$0x1] =	stream.indirect_vreg.gather [hbm4b:s3+s1], $0x80, v3, vm0, $0xb8;
	[tilespmem:$0x8200] =	vst v63  }
0x113: {  	_ =	swait.ge [sflag:s28], $0x8000  }
0x114: {  	[sflag:s28] =	ssyncset.done $0x0  }
0x115: {  	[sflag:s28] =	ssyncadd.s32 $0xFFFF8000  }
0x116: {  	[hbm4b:s7+s1] =	stream.linear.scatter [tilespmem:s11], [sflag:$0x2], $0x8000, $0x38;
	[tilespmem:$0x8200] =	vst v63  }
0x117: {  	_ =	swait.ge [sflag:s10], $0x8000  }
0x118: {  	[sflag:s10] =	ssyncset.done $0x0  }
0x119: {  	[sflag:s10] =	ssyncadd.s32 $0xFFFF8000  }
0x11a: {  	v3 =	vld [tilespmem:$0x180];
	_ =	sdelay $0x4  }
0x11b: {  	v56 =	vshll.u32 v3, $0x1  }
0x11c: {  	v3 =	vand.u32 $0x7, v3;
	v4 =	vand.u32 $0xFFFFFFF0, v56  }
0x11d: {  	v3 =	vor.u32 v3, v4  }
0x11e: {  	v4 =	vperm.xlane v3, v0;
	_ =	sdelay $0x1  }
0x11f: {  	v3 =	vperm.xlane v3, v2;
	v4 =	vadd.s32 v1, v4;
	_ =	sdelay $0x1  }
0x120: {  	v3 =	vadd.s32 v1, v3;
	_ =	sdelay $0x2  }
0x121: {  	[tilespmem:s11], [sflag:$0x1] =	stream.indirect_vreg.gather [hbm4b:s3+s1], $0x80, v4, vm0, $0xb8;
	[tilespmem:$0x8200] =	vst v63  }
0x122: {  	_ = 	snop  }
0x123: {  	[tilespmem:s12], [sflag:$0x1] =	stream.indirect_vreg.gather [hbm4b:s3+s1], $0x80, v3, vm0, $0xb8;
	[tilespmem:$0x8200] =	vst v63  }
0x124: {  	v3 =	vld [tilespmem:$0x190];
	_ =	sdelay $0x4  }
0x125: {  	v57 =	vshll.u32 v3, $0x1  }
0x126: {  	v3 =	vand.u32 $0x7, v3;
	v4 =	vand.u32 $0xFFFFFFF0, v57  }
0x127: {  	v3 =	vor.u32 v3, v4  }
0x128: {  	v4 =	vperm.xlane v3, v0;
	_ =	sdelay $0x1  }
0x129: {  	v3 =	vperm.xlane v3, v2;
	v4 =	vadd.s32 v1, v4;
	_ =	sdelay $0x1  }
0x12a: {  	v3 =	vadd.s32 v1, v3;
	_ =	sdelay $0x2  }
0x12b: {  	[tilespmem:s13], [sflag:$0x1] =	stream.indirect_vreg.gather [hbm4b:s3+s1], $0x80, v4, vm0, $0xb8;
	[tilespmem:$0x8200] =	vst v63  }
0x12c: {  	_ = 	snop  }
0x12d: {  	[tilespmem:s14], [sflag:$0x1] =	stream.indirect_vreg.gather [hbm4b:s3+s1], $0x80, v3, vm0, $0xb8;
	[tilespmem:$0x8200] =	vst v63  }
0x12e: {  	v3 =	vld [tilespmem:$0x1A0];
	_ =	sdelay $0x4  }
0x12f: {  	v58 =	vshll.u32 v3, $0x1  }
0x130: {  	v3 =	vand.u32 $0x7, v3;
	v4 =	vand.u32 $0xFFFFFFF0, v58  }
0x131: {  	v3 =	vor.u32 v3, v4  }
0x132: {  	v4 =	vperm.xlane v3, v0;
	_ =	sdelay $0x1  }
0x133: {  	v3 =	vperm.xlane v3, v2;
	v4 =	vadd.s32 v1, v4;
	_ =	sdelay $0x1  }
0x134: {  	v3 =	vadd.s32 v1, v3;
	_ =	sdelay $0x2  }
0x135: {  	[tilespmem:s15], [sflag:$0x1] =	stream.indirect_vreg.gather [hbm4b:s3+s1], $0x80, v4, vm0, $0xb8;
	[tilespmem:$0x8200] =	vst v63  }
0x136: {  	_ = 	snop  }
0x137: {  	[tilespmem:s16], [sflag:$0x1] =	stream.indirect_vreg.gather [hbm4b:s3+s1], $0x80, v3, vm0, $0xb8;
	[tilespmem:$0x8200] =	vst v63  }
0x138: {  	v3 =	vld [tilespmem:$0x1B0];
	_ =	sdelay $0x4  }
0x139: {  	v59 =	vshll.u32 v3, $0x1  }
0x13a: {  	v3 =	vand.u32 $0x7, v3;
	v4 =	vand.u32 $0xFFFFFFF0, v59  }
0x13b: {  	v3 =	vor.u32 v3, v4  }
0x13c: {  	v4 =	vperm.xlane v3, v0;
	_ =	sdelay $0x1  }
0x13d: {  	v3 =	vperm.xlane v3, v2;
	v4 =	vadd.s32 v1, v4;
	_ =	sdelay $0x1  }
0x13e: {  	v3 =	vadd.s32 v1, v3;
	_ =	sdelay $0x2  }
0x13f: {  	[tilespmem:s17], [sflag:$0x1] =	stream.indirect_vreg.gather [hbm4b:s3+s1], $0x80, v4, vm0, $0xb8;
	[tilespmem:$0x8200] =	vst v63  }
0x140: {  	_ = 	snop  }
0x141: {  	[tilespmem:s18], [sflag:$0x1] =	stream.indirect_vreg.gather [hbm4b:s3+s1], $0x80, v3, vm0, $0xb8;
	[tilespmem:$0x8200] =	vst v63  }
0x142: {  	v3 =	vld [tilespmem:$0x1C0];
	_ =	sdelay $0x4  }
0x143: {  	v60 =	vshll.u32 v3, $0x1  }
0x144: {  	v3 =	vand.u32 $0x7, v3;
	v4 =	vand.u32 $0xFFFFFFF0, v60  }
0x145: {  	v3 =	vor.u32 v3, v4  }
0x146: {  	v4 =	vperm.xlane v3, v0;
	_ =	sdelay $0x1  }
0x147: {  	v3 =	vperm.xlane v3, v2;
	v4 =	vadd.s32 v1, v4;
	_ =	sdelay $0x1  }
0x148: {  	v3 =	vadd.s32 v1, v3;
	_ =	sdelay $0x2  }
0x149: {  	[tilespmem:s19], [sflag:$0x1] =	stream.indirect_vreg.gather [hbm4b:s3+s1], $0x80, v4, vm0, $0xb8;
	[tilespmem:$0x8200] =	vst v63  }
0x14a: {  	_ = 	snop  }
0x14b: {  	[tilespmem:s20], [sflag:$0x1] =	stream.indirect_vreg.gather [hbm4b:s3+s1], $0x80, v3, vm0, $0xb8;
	[tilespmem:$0x8200] =	vst v63  }
0x14c: {  	v3 =	vld [tilespmem:$0x1D0];
	_ =	sdelay $0x4  }
0x14d: {  	v61 =	vshll.u32 v3, $0x1  }
0x14e: {  	v3 =	vand.u32 $0x7, v3;
	v4 =	vand.u32 $0xFFFFFFF0, v61  }
0x14f: {  	v3 =	vor.u32 v3, v4  }
0x150: {  	v4 =	vperm.xlane v3, v0;
	_ =	sdelay $0x1  }
0x151: {  	v3 =	vperm.xlane v3, v2;
	v4 =	vadd.s32 v1, v4;
	_ =	sdelay $0x1  }
0x152: {  	v3 =	vadd.s32 v1, v3;
	_ =	sdelay $0x2  }
0x153: {  	[tilespmem:s21], [sflag:$0x1] =	stream.indirect_vreg.gather [hbm4b:s3+s1], $0x80, v4, vm0, $0xb8;
	[tilespmem:$0x8200] =	vst v63  }
0x154: {  	_ = 	snop  }
0x155: {  	[tilespmem:s22], [sflag:$0x1] =	stream.indirect_vreg.gather [hbm4b:s3+s1], $0x80, v3, vm0, $0xb8;
	[tilespmem:$0x8200] =	vst v63  }
0x156: {  	v3 =	vld [tilespmem:$0x1E0];
	_ =	sdelay $0x4  }
0x157: {  	v62 =	vshll.u32 v3, $0x1  }
0x158: {  	v3 =	vand.u32 $0x7, v3;
	v4 =	vand.u32 $0xFFFFFFF0, v62  }
0x159: {  	v3 =	vor.u32 v3, v4  }
0x15a: {  	v4 =	vperm.xlane v3, v0;
	_ =	sdelay $0x1  }
0x15b: {  	v3 =	vperm.xlane v3, v2;
	v4 =	vadd.s32 v1, v4;
	_ =	sdelay $0x1  }
0x15c: {  	v3 =	vadd.s32 v1, v3;
	_ =	sdelay $0x2  }
0x15d: {  	[tilespmem:s23], [sflag:$0x1] =	stream.indirect_vreg.gather [hbm4b:s3+s1], $0x80, v4, vm0, $0xb8;
	[tilespmem:$0x8200] =	vst v63  }
0x15e: {  	_ = 	snop  }
0x15f: {  	[tilespmem:s24], [sflag:$0x1] =	stream.indirect_vreg.gather [hbm4b:s3+s1], $0x80, v3, vm0, $0xb8;
	[tilespmem:$0x8200] =	vst v63  }
0x160: {  	v3 =	vld [tilespmem:$0x1F0];
	_ =	sdelay $0x4  }
0x161: {  	v63 =	vshll.u32 v3, $0x1  }
0x162: {  	v3 =	vand.u32 $0x7, v3;
	v4 =	vand.u32 $0xFFFFFFF0, v63  }
0x163: {  	v3 =	vor.u32 v3, v4  }
0x164: {  	v4 =	vperm.xlane v3, v0;
	_ =	sdelay $0x1  }
0x165: {  	v3 =	vperm.xlane v3, v2;
	v4 =	vadd.s32 v1, v4;
	_ =	sdelay $0x1  }
0x166: {  	v3 =	vadd.s32 v1, v3;
	_ =	sdelay $0x2  }
0x167: {  	[tilespmem:s25], [sflag:$0x1] =	stream.indirect_vreg.gather [hbm4b:s3+s1], $0x80, v4, vm0, $0xb8;
	[tilespmem:$0x8200] =	vst v63  }
0x168: {  	_ = 	snop  }
0x169: {  	[tilespmem:s26], [sflag:$0x1] =	stream.indirect_vreg.gather [hbm4b:s3+s1], $0x80, v3, vm0, $0xb8;
	[tilespmem:$0x8200] =	vst v63  }
0x16a: {  	_ =	swait.ge [sflag:s28], $0x8000  }
0x16b: {  	p0 =	sne.s32 s9, $0x1;
	[sflag:s28] =	ssyncset.done $0x0  }
.Ltmp0:
0x16c: {  	[sflag:s28] =	ssyncadd.s32 $0xFFFF8000;
	(pc) =	sbr.rel @p0 .LBB2_1-.Ltmp0, $4  }
0x16d: {  	[hbm4b:s8+s1] =	stream.linear.scatter [tilespmem:s11], [sflag:$0x2], $0x8000, $0x38;
	[tilespmem:$0x8200] =	vst v63  }
0x16e: {  	_ =	swait.ge [sflag:s10], $0x8000  }
0x16f: {  	[sflag:s10] =	ssyncset.done $0x0  }
0x170: {  	s9 =	sadd.s32 $0xFFFFFFFF, s9;
	[sflag:s10] =	ssyncadd.s32 $0xFFFF8000  }
0x171: {  	_ =	sfence.sel $0x180000  }
0x172: {  	[bflag:$0x0] =	sbarrier.arrive $0xFFFF  }
0x173: {  	p0 =	sne.s32 s2, $0x0;
	_ =	strace $0x9000004A  }
0x174: {  	s0 =	sadd.s32 @!p0 $0x100000, s0;
	[bflag:$0x2] =	sbarrier.arrive $0xFFFF  }
0x175: {  	[sflag:s0] =	ssyncadd.tile.s32 @!p0 $0x1;
	_ =	shalt  }
.Lfunc_end2:
_tile_overlayer_lowered:
.L_overlay_start_2:
0x176: {  	(tag) =	ssettag $0x2  }
0x177: {  	s0 =	rddreg [dreg:$0x0];
	s2 =	stileid.u32  }
0x178: {  	s1 =	rddreg [dreg:$0x1];
	p0 =	sne.s32 s2, $0x0  }
0x179: {  	s3 =	rddreg [dreg:$0x2];
	[bflag:$0x3] =	sbarrier.arrive $0xFFFF;
	s2 =	simm.s32 @!p0 $0x1C02  }
0x17a: {  	[timem:s3], [sflag:s2] =	dma.local @!p0 [hbm:s0], s1  }
0x17b: {  	s0 =	simm.s32 @!p0 $0x2  }
0x17c: {  	_ =	swait.ge @!p0 [sflag:s0], s1  }
0x17d: {  	s1 =	ssub.s32 @!p0 $0x0, s1;
	[sflag:s0] =	ssyncset.done @!p0 $0x0  }
0x17e: {  	[sflag:s0] =	ssyncadd.s32 @!p0 s1  }
0x17f: {  	[bflag:$0x3] =	sbarrier.arrive $0xFFFF  }
0x180: {  	_ =	shalt  }

</sc_bundles>
